<compile_context>
chip_gen: v7x
topology: tpu7x:2x2x1
jax: 0.10.2.dev20260603
libtpu: 0.0.44.dev20260713+nightly
codegen_flags: <defaults>
</compile_context>

<pallas_src>
import functools

import jax
import jax.numpy as jnp
from jax import lax
from jax.experimental import pallas as pl
from jax.experimental.pallas import tpu as pltpu
from jax.experimental.pallas import tpu_sc as plsc

D = 64
CHUNK = 256
NBUF = 4


@functools.lru_cache(maxsize=None)
def _make_gather(B):
    info = plsc.get_sparse_core_info()
    NC, NS = info.num_cores, info.num_subcores
    NW = NC * NS
    b_per_w = B // NW
    assert b_per_w * NW == B and b_per_w % CHUNK == 0
    n_chunks = b_per_w // CHUNK
    assert n_chunks > NBUF
    mesh = plsc.VectorSubcoreMesh(core_axis_name="c", subcore_axis_name="s")

    @functools.partial(
        pl.kernel,
        out_type=jax.ShapeDtypeStruct((NW, n_chunks, CHUNK, D), jnp.float32),
        mesh=mesh,
        scratch_types=[
            pltpu.VMEM((n_chunks, CHUNK), jnp.int32),
            pltpu.VMEM((NBUF, CHUNK, D), jnp.float32),
            pltpu.SemaphoreType.DMA,
            pltpu.SemaphoreType.DMA,
        ],
        compiler_params=pltpu.CompilerParams(use_tc_tiling_on_sc=False),
    )
    def k(table_hbm, idx_hbm, out_hbm, idx_v, rows_v, gsem, osem):
        wid = lax.axis_index("s") * NC + lax.axis_index("c")
        pltpu.sync_copy(idx_hbm.at[wid], idx_v)

        def gstart(j, b):
            pltpu.async_copy(table_hbm.at[idx_v.at[j]], rows_v.at[b], gsem)

        def gwait(b):
            pltpu.make_async_copy(
                table_hbm.at[pl.ds(0, CHUNK)], rows_v.at[b], gsem).wait()

        def ostart(j, b):
            pltpu.async_copy(rows_v.at[b], out_hbm.at[wid, j], osem)

        def owait(b):
            pltpu.make_async_copy(
                rows_v.at[b], out_hbm.at[wid, 0], osem).wait()

        for b in range(NBUF):
            gstart(b, b)

        def step(j, carry):
            b = j % NBUF
            gwait(b)
            ostart(j, b)
            owait(b)
            gstart(j + NBUF, b)
            return carry

        lax.fori_loop(0, n_chunks - NBUF, step, 0)

        for j in range(n_chunks - NBUF, n_chunks):
            b = j % NBUF
            gwait(b)
            ostart(j, b)
        for j in range(n_chunks - NBUF, n_chunks):
            owait(j % NBUF)

    return k, NW, n_chunks


def kernel(x, latent_tdirs):
    n, t = x.shape[0], x.shape[1]
    B = n * t
    k, NW, n_chunks = _make_gather(B)
    idx = x.reshape(NW, n_chunks, CHUNK)
    out = k(latent_tdirs, idx)
    return out.reshape(n, t, D)

# --- scband reference (transcript-rebuilt; emitter-appended) ---
"""Pipeline reference for scband-dict-embedder-windowed-19808389169256 (READ-ONLY COPY).

The authoritative reference and input builder live on the scoring server;
editing this copy changes nothing except your own understanding.
"""

import jax, jax.numpy as jnp
import numpy as np

DICT_LEN = 1000000
LATENT_SIZE = 64
END_STEP = 0
STEP = 0

def setup_inputs(seed: int = 0) -> dict:
    key = jax.random.key(seed)
    k1, k2 = jax.random.split(key)
    x = jax.random.randint(k1, (1024, 200, 1), 0, DICT_LEN, dtype=jnp.int32)
    # torch init is zeros; use small random values so the numerics are non-trivial
    latent_tdirs = jax.random.normal(k2, (DICT_LEN, LATENT_SIZE), dtype=jnp.float32) * 0.02
    return {"x": x, "latent_tdirs": latent_tdirs}

def reference(x, latent_tdirs):
    # x = x.type(torch.long).squeeze(-1)
    idx = jnp.squeeze(x.astype(jnp.int32), -1)
    embed = jnp.take(latent_tdirs, idx, axis=0)
    if STEP < END_STEP:
        embed = jax.lax.stop_gradient(embed)
    return embed

if __name__ == "__main__":
    import jax
    _d = setup_inputs()
    print(jax.jit(kernel)(*tuple(_d.values())))

</pallas_src>

<mosaic_0001>
#map = affine_map<(d0, d1) -> (0, 0)>
#map1 = affine_map<(d0, d1) -> (0, 0, 0)>
#map2 = affine_map<(d0, d1) -> (0, 0, 0, 0)>
module attributes {stable_mosaic.version = 14 : i64} {
  func.func @k(%arg0: i32, %arg1: i32, %arg2: memref<1000000x64xf32, #tpu.memory_space<hbm>>, %arg3: memref<32x25x256xi32, #tpu.memory_space<hbm>>, %arg4: memref<32x25x256x64xf32, #tpu.memory_space<hbm>>, %arg5: memref<25x256xi32, #tpu.memory_space<vmem>>, %arg6: memref<4x256x64xf32, #tpu.memory_space<vmem>>, %arg7: memref<!tpu.dma_semaphore, #tpu.memory_space<semaphore_mem>>, %arg8: memref<!tpu.dma_semaphore, #tpu.memory_space<semaphore_mem>>) attributes {dimension_semantics = [#tpu.dimension_semantics<core_parallel>, #tpu.dimension_semantics<subcore_parallel>], iteration_bounds = array<i64: 2, 16>, scalar_prefetch = 0 : i64, scratch_operands = 4 : i64, tpu.core_type = #tpu.core_type<sc_vector_subcore>, window_params = [{transform_indices = #map}, {transform_indices = #map1}, {transform_indices = #map2}]} {
    %mul3A = arith.constant 2 : i32
    %mul3A_0 = arith.muli %arg1, %mul3A : i32
    %add3A = arith.addi %mul3A_0, %arg0 : i32
    "tpu.region"() ({
      %run_scoped3A = tpu.sem_alloc : memref<!tpu.dma_semaphore, #tpu.memory_space<semaphore_mem>>
      %dma_start3A_256 = arith.constant 0 : i32
      %dma_start3A_257 = arith.constant 0 : i32
      %dma_start3A_258 = tpu.memref_slice %arg3[%add3A, %dma_start3A_256, %dma_start3A_257] : memref<32x25x256xi32, #tpu.memory_space<hbm>> -> memref<1x25x256xi32, #tpu.memory_space<hbm>>
      %dma_start3A_259 = tpu.memref_squeeze %dma_start3A_258 : memref<1x25x256xi32, #tpu.memory_space<hbm>> -> memref<25x256xi32, #tpu.memory_space<hbm>>
      %dma_start3A_260 = arith.constant 0 : i32
      %dma_start3A_261 = arith.constant 0 : i32
      %dma_start3A_262 = tpu.memref_slice %arg3[%add3A, %dma_start3A_260, %dma_start3A_261] : memref<32x25x256xi32, #tpu.memory_space<hbm>> -> memref<1x25x256xi32, #tpu.memory_space<hbm>>
      %dma_start3A_263 = tpu.memref_squeeze %dma_start3A_262 : memref<1x25x256xi32, #tpu.memory_space<hbm>> -> memref<25x256xi32, #tpu.memory_space<hbm>>
      tpu.enqueue_dma source(%dma_start3A_263 : memref<25x256xi32, #tpu.memory_space<hbm>>) target(%arg5 : memref<25x256xi32, #tpu.memory_space<vmem>>) target_semaphore(%run_scoped3A : memref<!tpu.dma_semaphore, #tpu.memory_space<semaphore_mem>>)
      %dma_wait3A_264 = arith.constant 0 : i32
      %dma_wait3A_265 = arith.constant 0 : i32
      %dma_wait3A_266 = tpu.memref_slice %arg3[%add3A, %dma_wait3A_264, %dma_wait3A_265] : memref<32x25x256xi32, #tpu.memory_space<hbm>> -> memref<1x25x256xi32, #tpu.memory_space<hbm>>
      %dma_wait3A_267 = tpu.memref_squeeze %dma_wait3A_266 : memref<1x25x256xi32, #tpu.memory_space<hbm>> -> memref<25x256xi32, #tpu.memory_space<hbm>>
      %dma_wait3A_268 = arith.constant 0 : i32
      %dma_wait3A_269 = arith.constant 0 : i32
      %dma_wait3A_270 = tpu.memref_slice %arg3[%add3A, %dma_wait3A_268, %dma_wait3A_269] : memref<32x25x256xi32, #tpu.memory_space<hbm>> -> memref<1x25x256xi32, #tpu.memory_space<hbm>>
      %dma_wait3A_271 = tpu.memref_squeeze %dma_wait3A_270 : memref<1x25x256xi32, #tpu.memory_space<hbm>> -> memref<25x256xi32, #tpu.memory_space<hbm>>
      tpu.wait_dma2 semaphore(%run_scoped3A : memref<!tpu.dma_semaphore, #tpu.memory_space<semaphore_mem>>) src(%dma_wait3A_271 : memref<25x256xi32, #tpu.memory_space<hbm>>) dst(%arg5 : memref<25x256xi32, #tpu.memory_space<vmem>>)
      tpu.yield
    }) : () -> ()
    %dma_start3A = arith.constant 0 : i32
    %dma_start3A_1 = arith.constant 0 : i32
    %dma_start3A_2 = arith.constant 0 : i32
    %dma_start3A_3 = arith.constant 0 : i32
    %dma_start3A_4 = tpu.memref_slice %arg6[%dma_start3A_1, %dma_start3A_2, %dma_start3A_3] : memref<4x256x64xf32, #tpu.memory_space<vmem>> -> memref<1x256x64xf32, #tpu.memory_space<vmem>>
    %dma_start3A_5 = tpu.memref_squeeze %dma_start3A_4 : memref<1x256x64xf32, #tpu.memory_space<vmem>> -> memref<256x64xf32, #tpu.memory_space<vmem>>
    %dma_start3A_6 = arith.constant 0 : i32
    %dma_start3A_7 = tpu.memref_slice %arg5[%dma_start3A, %dma_start3A_6] : memref<25x256xi32, #tpu.memory_space<vmem>> -> memref<1x256xi32, #tpu.memory_space<vmem>>
    %dma_start3A_8 = tpu.memref_squeeze %dma_start3A_7 : memref<1x256xi32, #tpu.memory_space<vmem>> -> memref<256xi32, #tpu.memory_space<vmem>>
    %dma_start3A_9 = arith.constant 0 : i32
    %dma_start3A_10 = arith.constant 0 : i32
    %dma_start3A_11 = tpu.memref_slice %arg2[%dma_start3A_9, %dma_start3A_10] : memref<1000000x64xf32, #tpu.memory_space<hbm>> -> memref<1000000x64xf32, #tpu.memory_space<hbm>>
    tpu.enqueue_indirect_dma source(%dma_start3A_11 : memref<1000000x64xf32, #tpu.memory_space<hbm>>) target(%dma_start3A_5 : memref<256x64xf32, #tpu.memory_space<vmem>>) offsets(%dma_start3A_8 : memref<256xi32, #tpu.memory_space<vmem>>) semaphore(%arg7 : memref<!tpu.dma_semaphore, #tpu.memory_space<semaphore_mem>>)
    %dma_start3A_12 = arith.constant 1 : i32
    %dma_start3A_13 = arith.constant 1 : i32
    %dma_start3A_14 = arith.constant 0 : i32
    %dma_start3A_15 = arith.constant 0 : i32
    %dma_start3A_16 = tpu.memref_slice %arg6[%dma_start3A_13, %dma_start3A_14, %dma_start3A_15] : memref<4x256x64xf32, #tpu.memory_space<vmem>> -> memref<1x256x64xf32, #tpu.memory_space<vmem>>
    %dma_start3A_17 = tpu.memref_squeeze %dma_start3A_16 : memref<1x256x64xf32, #tpu.memory_space<vmem>> -> memref<256x64xf32, #tpu.memory_space<vmem>>
    %dma_start3A_18 = arith.constant 0 : i32
    %dma_start3A_19 = tpu.memref_slice %arg5[%dma_start3A_12, %dma_start3A_18] : memref<25x256xi32, #tpu.memory_space<vmem>> -> memref<1x256xi32, #tpu.memory_space<vmem>>
    %dma_start3A_20 = tpu.memref_squeeze %dma_start3A_19 : memref<1x256xi32, #tpu.memory_space<vmem>> -> memref<256xi32, #tpu.memory_space<vmem>>
    %dma_start3A_21 = arith.constant 0 : i32
    %dma_start3A_22 = arith.constant 0 : i32
    %dma_start3A_23 = tpu.memref_slice %arg2[%dma_start3A_21, %dma_start3A_22] : memref<1000000x64xf32, #tpu.memory_space<hbm>> -> memref<1000000x64xf32, #tpu.memory_space<hbm>>
    tpu.enqueue_indirect_dma source(%dma_start3A_23 : memref<1000000x64xf32, #tpu.memory_space<hbm>>) target(%dma_start3A_17 : memref<256x64xf32, #tpu.memory_space<vmem>>) offsets(%dma_start3A_20 : memref<256xi32, #tpu.memory_space<vmem>>) semaphore(%arg7 : memref<!tpu.dma_semaphore, #tpu.memory_space<semaphore_mem>>)
    %dma_start3A_24 = arith.constant 2 : i32
    %dma_start3A_25 = arith.constant 2 : i32
    %dma_start3A_26 = arith.constant 0 : i32
    %dma_start3A_27 = arith.constant 0 : i32
    %dma_start3A_28 = tpu.memref_slice %arg6[%dma_start3A_25, %dma_start3A_26, %dma_start3A_27] : memref<4x256x64xf32, #tpu.memory_space<vmem>> -> memref<1x256x64xf32, #tpu.memory_space<vmem>>
    %dma_start3A_29 = tpu.memref_squeeze %dma_start3A_28 : memref<1x256x64xf32, #tpu.memory_space<vmem>> -> memref<256x64xf32, #tpu.memory_space<vmem>>
    %dma_start3A_30 = arith.constant 0 : i32
    %dma_start3A_31 = tpu.memref_slice %arg5[%dma_start3A_24, %dma_start3A_30] : memref<25x256xi32, #tpu.memory_space<vmem>> -> memref<1x256xi32, #tpu.memory_space<vmem>>
    %dma_start3A_32 = tpu.memref_squeeze %dma_start3A_31 : memref<1x256xi32, #tpu.memory_space<vmem>> -> memref<256xi32, #tpu.memory_space<vmem>>
    %dma_start3A_33 = arith.constant 0 : i32
    %dma_start3A_34 = arith.constant 0 : i32
    %dma_start3A_35 = tpu.memref_slice %arg2[%dma_start3A_33, %dma_start3A_34] : memref<1000000x64xf32, #tpu.memory_space<hbm>> -> memref<1000000x64xf32, #tpu.memory_space<hbm>>
    tpu.enqueue_indirect_dma source(%dma_start3A_35 : memref<1000000x64xf32, #tpu.memory_space<hbm>>) target(%dma_start3A_29 : memref<256x64xf32, #tpu.memory_space<vmem>>) offsets(%dma_start3A_32 : memref<256xi32, #tpu.memory_space<vmem>>) semaphore(%arg7 : memref<!tpu.dma_semaphore, #tpu.memory_space<semaphore_mem>>)
    %dma_start3A_36 = arith.constant 3 : i32
    %dma_start3A_37 = arith.constant 3 : i32
    %dma_start3A_38 = arith.constant 0 : i32
    %dma_start3A_39 = arith.constant 0 : i32
    %dma_start3A_40 = tpu.memref_slice %arg6[%dma_start3A_37, %dma_start3A_38, %dma_start3A_39] : memref<4x256x64xf32, #tpu.memory_space<vmem>> -> memref<1x256x64xf32, #tpu.memory_space<vmem>>
    %dma_start3A_41 = tpu.memref_squeeze %dma_start3A_40 : memref<1x256x64xf32, #tpu.memory_space<vmem>> -> memref<256x64xf32, #tpu.memory_space<vmem>>
    %dma_start3A_42 = arith.constant 0 : i32
    %dma_start3A_43 = tpu.memref_slice %arg5[%dma_start3A_36, %dma_start3A_42] : memref<25x256xi32, #tpu.memory_space<vmem>> -> memref<1x256xi32, #tpu.memory_space<vmem>>
    %dma_start3A_44 = tpu.memref_squeeze %dma_start3A_43 : memref<1x256xi32, #tpu.memory_space<vmem>> -> memref<256xi32, #tpu.memory_space<vmem>>
    %dma_start3A_45 = arith.constant 0 : i32
    %dma_start3A_46 = arith.constant 0 : i32
    %dma_start3A_47 = tpu.memref_slice %arg2[%dma_start3A_45, %dma_start3A_46] : memref<1000000x64xf32, #tpu.memory_space<hbm>> -> memref<1000000x64xf32, #tpu.memory_space<hbm>>
    tpu.enqueue_indirect_dma source(%dma_start3A_47 : memref<1000000x64xf32, #tpu.memory_space<hbm>>) target(%dma_start3A_41 : memref<256x64xf32, #tpu.memory_space<vmem>>) offsets(%dma_start3A_44 : memref<256xi32, #tpu.memory_space<vmem>>) semaphore(%arg7 : memref<!tpu.dma_semaphore, #tpu.memory_space<semaphore_mem>>)
    %scan3A = arith.constant 0 : i32
    %scan3A_48 = arith.constant 0 : i32
    %scan3A_49 = arith.constant 21 : i32
    %scan3A_50 = arith.addi %scan3A_48, %scan3A_49 : i32
    %scan3A_51 = arith.constant 1 : i32
    scf.for %scan3A_256 = %scan3A_48 to %scan3A_50 step %scan3A_51  : i32 {
      %jit3A = arith.constant 4 : i32
      %eq3A = arith.constant 0 : i32
      %eq3A_257 = arith.cmpi eq, %jit3A, %eq3A : i32
      %jit3A_258 = arith.constant 1 : i32
      %select_n3A = arith.select %eq3A_257, %jit3A_258, %jit3A : i32
      %rem3A = arith.remsi %scan3A_256, %select_n3A : i32
      %ne3A = arith.constant 0 : i32
      %ne3A_259 = arith.cmpi ne, %rem3A, %ne3A : i32
      %lt3A = arith.constant 0 : i32
      %lt3A_260 = arith.cmpi slt, %rem3A, %lt3A : i32
      %lt3A_261 = arith.constant 0 : i32
      %lt3A_262 = arith.cmpi slt, %select_n3A, %lt3A_261 : i32
      %ne3A_263 = arith.xori %lt3A_260, %lt3A_262 : i1
      %and3A = arith.andi %ne3A_263, %ne3A_259 : i1
      %add3A_264 = arith.addi %rem3A, %select_n3A : i32
      %select_n3A_265 = arith.select %and3A, %add3A_264, %rem3A : i32
      %dma_wait3A_266 = arith.constant 0 : i32
      %dma_wait3A_267 = arith.constant 0 : i32
      %dma_wait3A_268 = tpu.memref_slice %arg6[%select_n3A_265, %dma_wait3A_266, %dma_wait3A_267] : memref<4x256x64xf32, #tpu.memory_space<vmem>> -> memref<1x256x64xf32, #tpu.memory_space<vmem>>
      %dma_wait3A_269 = tpu.memref_squeeze %dma_wait3A_268 : memref<1x256x64xf32, #tpu.memory_space<vmem>> -> memref<256x64xf32, #tpu.memory_space<vmem>>
      %dma_wait3A_270 = arith.constant 0 : i32
      %dma_wait3A_271 = arith.constant 0 : i32
      %dma_wait3A_272 = tpu.memref_slice %arg2[%dma_wait3A_270, %dma_wait3A_271] : memref<1000000x64xf32, #tpu.memory_space<hbm>> -> memref<256x64xf32, #tpu.memory_space<hbm>>
      %dma_wait3A_273 = arith.constant 0 : i32
      %dma_wait3A_274 = arith.constant 0 : i32
      %dma_wait3A_275 = tpu.memref_slice %arg6[%select_n3A_265, %dma_wait3A_273, %dma_wait3A_274] : memref<4x256x64xf32, #tpu.memory_space<vmem>> -> memref<1x256x64xf32, #tpu.memory_space<vmem>>
      %dma_wait3A_276 = tpu.memref_squeeze %dma_wait3A_275 : memref<1x256x64xf32, #tpu.memory_space<vmem>> -> memref<256x64xf32, #tpu.memory_space<vmem>>
      %dma_wait3A_277 = arith.constant 0 : i32
      %dma_wait3A_278 = arith.constant 0 : i32
      %dma_wait3A_279 = tpu.memref_slice %arg2[%dma_wait3A_277, %dma_wait3A_278] : memref<1000000x64xf32, #tpu.memory_space<hbm>> -> memref<256x64xf32, #tpu.memory_space<hbm>>
      tpu.wait_dma2 semaphore(%arg7 : memref<!tpu.dma_semaphore, #tpu.memory_space<semaphore_mem>>) src(%dma_wait3A_279 : memref<256x64xf32, #tpu.memory_space<hbm>>) dst(%dma_wait3A_276 : memref<256x64xf32, #tpu.memory_space<vmem>>)
      %dma_start3A_280 = arith.constant 0 : i32
      %dma_start3A_281 = arith.constant 0 : i32
      %dma_start3A_282 = tpu.memref_slice %arg6[%select_n3A_265, %dma_start3A_280, %dma_start3A_281] : memref<4x256x64xf32, #tpu.memory_space<vmem>> -> memref<1x256x64xf32, #tpu.memory_space<vmem>>
      %dma_start3A_283 = tpu.memref_squeeze %dma_start3A_282 : memref<1x256x64xf32, #tpu.memory_space<vmem>> -> memref<256x64xf32, #tpu.memory_space<vmem>>
      %dma_start3A_284 = arith.constant 0 : i32
      %dma_start3A_285 = arith.constant 0 : i32
      %dma_start3A_286 = tpu.memref_slice %arg4[%add3A, %scan3A_256, %dma_start3A_284, %dma_start3A_285] : memref<32x25x256x64xf32, #tpu.memory_space<hbm>> -> memref<1x1x256x64xf32, #tpu.memory_space<hbm>>
      %dma_start3A_287 = tpu.memref_squeeze %dma_start3A_286 : memref<1x1x256x64xf32, #tpu.memory_space<hbm>> -> memref<256x64xf32, #tpu.memory_space<hbm>>
      %dma_start3A_288 = arith.constant 0 : i32
      %dma_start3A_289 = arith.constant 0 : i32
      %dma_start3A_290 = tpu.memref_slice %arg4[%add3A, %scan3A_256, %dma_start3A_288, %dma_start3A_289] : memref<32x25x256x64xf32, #tpu.memory_space<hbm>> -> memref<1x1x256x64xf32, #tpu.memory_space<hbm>>
      %dma_start3A_291 = tpu.memref_squeeze %dma_start3A_290 : memref<1x1x256x64xf32, #tpu.memory_space<hbm>> -> memref<256x64xf32, #tpu.memory_space<hbm>>
      %dma_start3A_292 = arith.constant 0 : i32
      %dma_start3A_293 = arith.constant 0 : i32
      %dma_start3A_294 = tpu.memref_slice %arg6[%select_n3A_265, %dma_start3A_292, %dma_start3A_293] : memref<4x256x64xf32, #tpu.memory_space<vmem>> -> memref<1x256x64xf32, #tpu.memory_space<vmem>>
      %dma_start3A_295 = tpu.memref_squeeze %dma_start3A_294 : memref<1x256x64xf32, #tpu.memory_space<vmem>> -> memref<256x64xf32, #tpu.memory_space<vmem>>
      tpu.enqueue_dma source(%dma_start3A_295 : memref<256x64xf32, #tpu.memory_space<vmem>>) target(%dma_start3A_291 : memref<256x64xf32, #tpu.memory_space<hbm>>) target_semaphore(%arg8 : memref<!tpu.dma_semaphore, #tpu.memory_space<semaphore_mem>>)
      %dma_wait3A_296 = arith.constant 0 : i32
      %dma_wait3A_297 = arith.constant 0 : i32
      %dma_wait3A_298 = arith.constant 0 : i32
      %dma_wait3A_299 = tpu.memref_slice %arg6[%select_n3A_265, %dma_wait3A_297, %dma_wait3A_298] : memref<4x256x64xf32, #tpu.memory_space<vmem>> -> memref<1x256x64xf32, #tpu.memory_space<vmem>>
      %dma_wait3A_300 = tpu.memref_squeeze %dma_wait3A_299 : memref<1x256x64xf32, #tpu.memory_space<vmem>> -> memref<256x64xf32, #tpu.memory_space<vmem>>
      %dma_wait3A_301 = arith.constant 0 : i32
      %dma_wait3A_302 = arith.constant 0 : i32
      %dma_wait3A_303 = tpu.memref_slice %arg4[%add3A, %dma_wait3A_296, %dma_wait3A_301, %dma_wait3A_302] : memref<32x25x256x64xf32, #tpu.memory_space<hbm>> -> memref<1x1x256x64xf32, #tpu.memory_space<hbm>>
      %dma_wait3A_304 = tpu.memref_squeeze %dma_wait3A_303 : memref<1x1x256x64xf32, #tpu.memory_space<hbm>> -> memref<256x64xf32, #tpu.memory_space<hbm>>
      %dma_wait3A_305 = arith.constant 0 : i32
      %dma_wait3A_306 = arith.constant 0 : i32
      %dma_wait3A_307 = tpu.memref_slice %arg4[%add3A, %dma_wait3A_296, %dma_wait3A_305, %dma_wait3A_306] : memref<32x25x256x64xf32, #tpu.memory_space<hbm>> -> memref<1x1x256x64xf32, #tpu.memory_space<hbm>>
      %dma_wait3A_308 = tpu.memref_squeeze %dma_wait3A_307 : memref<1x1x256x64xf32, #tpu.memory_space<hbm>> -> memref<256x64xf32, #tpu.memory_space<hbm>>
      %dma_wait3A_309 = arith.constant 0 : i32
      %dma_wait3A_310 = arith.constant 0 : i32
      %dma_wait3A_311 = tpu.memref_slice %arg6[%select_n3A_265, %dma_wait3A_309, %dma_wait3A_310] : memref<4x256x64xf32, #tpu.memory_space<vmem>> -> memref<1x256x64xf32, #tpu.memory_space<vmem>>
      %dma_wait3A_312 = tpu.memref_squeeze %dma_wait3A_311 : memref<1x256x64xf32, #tpu.memory_space<vmem>> -> memref<256x64xf32, #tpu.memory_space<vmem>>
      tpu.wait_dma2 semaphore(%arg8 : memref<!tpu.dma_semaphore, #tpu.memory_space<semaphore_mem>>) src(%dma_wait3A_312 : memref<256x64xf32, #tpu.memory_space<vmem>>) dst(%dma_wait3A_308 : memref<256x64xf32, #tpu.memory_space<hbm>>)
      %add3A_313 = arith.constant 4 : i32
      %add3A_314 = arith.addi %scan3A_256, %add3A_313 : i32
      %dma_start3A_315 = arith.constant 0 : i32
      %dma_start3A_316 = arith.constant 0 : i32
      %dma_start3A_317 = tpu.memref_slice %arg6[%select_n3A_265, %dma_start3A_315, %dma_start3A_316] : memref<4x256x64xf32, #tpu.memory_space<vmem>> -> memref<1x256x64xf32, #tpu.memory_space<vmem>>
      %dma_start3A_318 = tpu.memref_squeeze %dma_start3A_317 : memref<1x256x64xf32, #tpu.memory_space<vmem>> -> memref<256x64xf32, #tpu.memory_space<vmem>>
      %dma_start3A_319 = arith.constant 0 : i32
      %dma_start3A_320 = tpu.memref_slice %arg5[%add3A_314, %dma_start3A_319] : memref<25x256xi32, #tpu.memory_space<vmem>> -> memref<1x256xi32, #tpu.memory_space<vmem>>
      %dma_start3A_321 = tpu.memref_squeeze %dma_start3A_320 : memref<1x256xi32, #tpu.memory_space<vmem>> -> memref<256xi32, #tpu.memory_space<vmem>>
      %dma_start3A_322 = arith.constant 0 : i32
      %dma_start3A_323 = arith.constant 0 : i32
      %dma_start3A_324 = tpu.memref_slice %arg2[%dma_start3A_322, %dma_start3A_323] : memref<1000000x64xf32, #tpu.memory_space<hbm>> -> memref<1000000x64xf32, #tpu.memory_space<hbm>>
      tpu.enqueue_indirect_dma source(%dma_start3A_324 : memref<1000000x64xf32, #tpu.memory_space<hbm>>) target(%dma_start3A_318 : memref<256x64xf32, #tpu.memory_space<vmem>>) offsets(%dma_start3A_321 : memref<256xi32, #tpu.memory_space<vmem>>) semaphore(%arg7 : memref<!tpu.dma_semaphore, #tpu.memory_space<semaphore_mem>>)
    }
    %scan3A_52 = arith.constant 21 : i32
    %dma_wait3A = arith.constant 1 : i32
    %dma_wait3A_53 = arith.constant 0 : i32
    %dma_wait3A_54 = arith.constant 0 : i32
    %dma_wait3A_55 = tpu.memref_slice %arg6[%dma_wait3A, %dma_wait3A_53, %dma_wait3A_54] : memref<4x256x64xf32, #tpu.memory_space<vmem>> -> memref<1x256x64xf32, #tpu.memory_space<vmem>>
    %dma_wait3A_56 = tpu.memref_squeeze %dma_wait3A_55 : memref<1x256x64xf32, #tpu.memory_space<vmem>> -> memref<256x64xf32, #tpu.memory_space<vmem>>
    %dma_wait3A_57 = arith.constant 0 : i32
    %dma_wait3A_58 = arith.constant 0 : i32
    %dma_wait3A_59 = tpu.memref_slice %arg2[%dma_wait3A_57, %dma_wait3A_58] : memref<1000000x64xf32, #tpu.memory_space<hbm>> -> memref<256x64xf32, #tpu.memory_space<hbm>>
    %dma_wait3A_60 = arith.constant 0 : i32
    %dma_wait3A_61 = arith.constant 0 : i32
    %dma_wait3A_62 = tpu.memref_slice %arg6[%dma_wait3A, %dma_wait3A_60, %dma_wait3A_61] : memref<4x256x64xf32, #tpu.memory_space<vmem>> -> memref<1x256x64xf32, #tpu.memory_space<vmem>>
    %dma_wait3A_63 = tpu.memref_squeeze %dma_wait3A_62 : memref<1x256x64xf32, #tpu.memory_space<vmem>> -> memref<256x64xf32, #tpu.memory_space<vmem>>
    %dma_wait3A_64 = arith.constant 0 : i32
    %dma_wait3A_65 = arith.constant 0 : i32
    %dma_wait3A_66 = tpu.memref_slice %arg2[%dma_wait3A_64, %dma_wait3A_65] : memref<1000000x64xf32, #tpu.memory_space<hbm>> -> memref<256x64xf32, #tpu.memory_space<hbm>>
    tpu.wait_dma2 semaphore(%arg7 : memref<!tpu.dma_semaphore, #tpu.memory_space<semaphore_mem>>) src(%dma_wait3A_66 : memref<256x64xf32, #tpu.memory_space<hbm>>) dst(%dma_wait3A_63 : memref<256x64xf32, #tpu.memory_space<vmem>>)
    %dma_start3A_67 = arith.constant 1 : i32
    %dma_start3A_68 = arith.constant 21 : i32
    %dma_start3A_69 = arith.constant 0 : i32
    %dma_start3A_70 = arith.constant 0 : i32
    %dma_start3A_71 = tpu.memref_slice %arg6[%dma_start3A_67, %dma_start3A_69, %dma_start3A_70] : memref<4x256x64xf32, #tpu.memory_space<vmem>> -> memref<1x256x64xf32, #tpu.memory_space<vmem>>
    %dma_start3A_72 = tpu.memref_squeeze %dma_start3A_71 : memref<1x256x64xf32, #tpu.memory_space<vmem>> -> memref<256x64xf32, #tpu.memory_space<vmem>>
    %dma_start3A_73 = arith.constant 0 : i32
    %dma_start3A_74 = arith.constant 0 : i32
    %dma_start3A_75 = tpu.memref_slice %arg4[%add3A, %dma_start3A_68, %dma_start3A_73, %dma_start3A_74] : memref<32x25x256x64xf32, #tpu.memory_space<hbm>> -> memref<1x1x256x64xf32, #tpu.memory_space<hbm>>
    %dma_start3A_76 = tpu.memref_squeeze %dma_start3A_75 : memref<1x1x256x64xf32, #tpu.memory_space<hbm>> -> memref<256x64xf32, #tpu.memory_space<hbm>>
    %dma_start3A_77 = arith.constant 0 : i32
    %dma_start3A_78 = arith.constant 0 : i32
    %dma_start3A_79 = tpu.memref_slice %arg4[%add3A, %dma_start3A_68, %dma_start3A_77, %dma_start3A_78] : memref<32x25x256x64xf32, #tpu.memory_space<hbm>> -> memref<1x1x256x64xf32, #tpu.memory_space<hbm>>
    %dma_start3A_80 = tpu.memref_squeeze %dma_start3A_79 : memref<1x1x256x64xf32, #tpu.memory_space<hbm>> -> memref<256x64xf32, #tpu.memory_space<hbm>>
    %dma_start3A_81 = arith.constant 0 : i32
    %dma_start3A_82 = arith.constant 0 : i32
    %dma_start3A_83 = tpu.memref_slice %arg6[%dma_start3A_67, %dma_start3A_81, %dma_start3A_82] : memref<4x256x64xf32, #tpu.memory_space<vmem>> -> memref<1x256x64xf32, #tpu.memory_space<vmem>>
    %dma_start3A_84 = tpu.memref_squeeze %dma_start3A_83 : memref<1x256x64xf32, #tpu.memory_space<vmem>> -> memref<256x64xf32, #tpu.memory_space<vmem>>
    tpu.enqueue_dma source(%dma_start3A_84 : memref<256x64xf32, #tpu.memory_space<vmem>>) target(%dma_start3A_80 : memref<256x64xf32, #tpu.memory_space<hbm>>) target_semaphore(%arg8 : memref<!tpu.dma_semaphore, #tpu.memory_space<semaphore_mem>>)
    %dma_wait3A_85 = arith.constant 2 : i32
    %dma_wait3A_86 = arith.constant 0 : i32
    %dma_wait3A_87 = arith.constant 0 : i32
    %dma_wait3A_88 = tpu.memref_slice %arg6[%dma_wait3A_85, %dma_wait3A_86, %dma_wait3A_87] : memref<4x256x64xf32, #tpu.memory_space<vmem>> -> memref<1x256x64xf32, #tpu.memory_space<vmem>>
    %dma_wait3A_89 = tpu.memref_squeeze %dma_wait3A_88 : memref<1x256x64xf32, #tpu.memory_space<vmem>> -> memref<256x64xf32, #tpu.memory_space<vmem>>
    %dma_wait3A_90 = arith.constant 0 : i32
    %dma_wait3A_91 = arith.constant 0 : i32
    %dma_wait3A_92 = tpu.memref_slice %arg2[%dma_wait3A_90, %dma_wait3A_91] : memref<1000000x64xf32, #tpu.memory_space<hbm>> -> memref<256x64xf32, #tpu.memory_space<hbm>>
    %dma_wait3A_93 = arith.constant 0 : i32
    %dma_wait3A_94 = arith.constant 0 : i32
    %dma_wait3A_95 = tpu.memref_slice %arg6[%dma_wait3A_85, %dma_wait3A_93, %dma_wait3A_94] : memref<4x256x64xf32, #tpu.memory_space<vmem>> -> memref<1x256x64xf32, #tpu.memory_space<vmem>>
    %dma_wait3A_96 = tpu.memref_squeeze %dma_wait3A_95 : memref<1x256x64xf32, #tpu.memory_space<vmem>> -> memref<256x64xf32, #tpu.memory_space<vmem>>
    %dma_wait3A_97 = arith.constant 0 : i32
    %dma_wait3A_98 = arith.constant 0 : i32
    %dma_wait3A_99 = tpu.memref_slice %arg2[%dma_wait3A_97, %dma_wait3A_98] : memref<1000000x64xf32, #tpu.memory_space<hbm>> -> memref<256x64xf32, #tpu.memory_space<hbm>>
    tpu.wait_dma2 semaphore(%arg7 : memref<!tpu.dma_semaphore, #tpu.memory_space<semaphore_mem>>) src(%dma_wait3A_99 : memref<256x64xf32, #tpu.memory_space<hbm>>) dst(%dma_wait3A_96 : memref<256x64xf32, #tpu.memory_space<vmem>>)
    %dma_start3A_100 = arith.constant 2 : i32
    %dma_start3A_101 = arith.constant 22 : i32
    %dma_start3A_102 = arith.constant 0 : i32
    %dma_start3A_103 = arith.constant 0 : i32
    %dma_start3A_104 = tpu.memref_slice %arg6[%dma_start3A_100, %dma_start3A_102, %dma_start3A_103] : memref<4x256x64xf32, #tpu.memory_space<vmem>> -> memref<1x256x64xf32, #tpu.memory_space<vmem>>
    %dma_start3A_105 = tpu.memref_squeeze %dma_start3A_104 : memref<1x256x64xf32, #tpu.memory_space<vmem>> -> memref<256x64xf32, #tpu.memory_space<vmem>>
    %dma_start3A_106 = arith.constant 0 : i32
    %dma_start3A_107 = arith.constant 0 : i32
    %dma_start3A_108 = tpu.memref_slice %arg4[%add3A, %dma_start3A_101, %dma_start3A_106, %dma_start3A_107] : memref<32x25x256x64xf32, #tpu.memory_space<hbm>> -> memref<1x1x256x64xf32, #tpu.memory_space<hbm>>
    %dma_start3A_109 = tpu.memref_squeeze %dma_start3A_108 : memref<1x1x256x64xf32, #tpu.memory_space<hbm>> -> memref<256x64xf32, #tpu.memory_space<hbm>>
    %dma_start3A_110 = arith.constant 0 : i32
    %dma_start3A_111 = arith.constant 0 : i32
    %dma_start3A_112 = tpu.memref_slice %arg4[%add3A, %dma_start3A_101, %dma_start3A_110, %dma_start3A_111] : memref<32x25x256x64xf32, #tpu.memory_space<hbm>> -> memref<1x1x256x64xf32, #tpu.memory_space<hbm>>
    %dma_start3A_113 = tpu.memref_squeeze %dma_start3A_112 : memref<1x1x256x64xf32, #tpu.memory_space<hbm>> -> memref<256x64xf32, #tpu.memory_space<hbm>>
    %dma_start3A_114 = arith.constant 0 : i32
    %dma_start3A_115 = arith.constant 0 : i32
    %dma_start3A_116 = tpu.memref_slice %arg6[%dma_start3A_100, %dma_start3A_114, %dma_start3A_115] : memref<4x256x64xf32, #tpu.memory_space<vmem>> -> memref<1x256x64xf32, #tpu.memory_space<vmem>>
    %dma_start3A_117 = tpu.memref_squeeze %dma_start3A_116 : memref<1x256x64xf32, #tpu.memory_space<vmem>> -> memref<256x64xf32, #tpu.memory_space<vmem>>
    tpu.enqueue_dma source(%dma_start3A_117 : memref<256x64xf32, #tpu.memory_space<vmem>>) target(%dma_start3A_113 : memref<256x64xf32, #tpu.memory_space<hbm>>) target_semaphore(%arg8 : memref<!tpu.dma_semaphore, #tpu.memory_space<semaphore_mem>>)
    %dma_wait3A_118 = arith.constant 3 : i32
    %dma_wait3A_119 = arith.constant 0 : i32
    %dma_wait3A_120 = arith.constant 0 : i32
    %dma_wait3A_121 = tpu.memref_slice %arg6[%dma_wait3A_118, %dma_wait3A_119, %dma_wait3A_120] : memref<4x256x64xf32, #tpu.memory_space<vmem>> -> memref<1x256x64xf32, #tpu.memory_space<vmem>>
    %dma_wait3A_122 = tpu.memref_squeeze %dma_wait3A_121 : memref<1x256x64xf32, #tpu.memory_space<vmem>> -> memref<256x64xf32, #tpu.memory_space<vmem>>
    %dma_wait3A_123 = arith.constant 0 : i32
    %dma_wait3A_124 = arith.constant 0 : i32
    %dma_wait3A_125 = tpu.memref_slice %arg2[%dma_wait3A_123, %dma_wait3A_124] : memref<1000000x64xf32, #tpu.memory_space<hbm>> -> memref<256x64xf32, #tpu.memory_space<hbm>>
    %dma_wait3A_126 = arith.constant 0 : i32
    %dma_wait3A_127 = arith.constant 0 : i32
    %dma_wait3A_128 = tpu.memref_slice %arg6[%dma_wait3A_118, %dma_wait3A_126, %dma_wait3A_127] : memref<4x256x64xf32, #tpu.memory_space<vmem>> -> memref<1x256x64xf32, #tpu.memory_space<vmem>>
    %dma_wait3A_129 = tpu.memref_squeeze %dma_wait3A_128 : memref<1x256x64xf32, #tpu.memory_space<vmem>> -> memref<256x64xf32, #tpu.memory_space<vmem>>
    %dma_wait3A_130 = arith.constant 0 : i32
    %dma_wait3A_131 = arith.constant 0 : i32
    %dma_wait3A_132 = tpu.memref_slice %arg2[%dma_wait3A_130, %dma_wait3A_131] : memref<1000000x64xf32, #tpu.memory_space<hbm>> -> memref<256x64xf32, #tpu.memory_space<hbm>>
    tpu.wait_dma2 semaphore(%arg7 : memref<!tpu.dma_semaphore, #tpu.memory_space<semaphore_mem>>) src(%dma_wait3A_132 : memref<256x64xf32, #tpu.memory_space<hbm>>) dst(%dma_wait3A_129 : memref<256x64xf32, #tpu.memory_space<vmem>>)
    %dma_start3A_133 = arith.constant 3 : i32
    %dma_start3A_134 = arith.constant 23 : i32
    %dma_start3A_135 = arith.constant 0 : i32
    %dma_start3A_136 = arith.constant 0 : i32
    %dma_start3A_137 = tpu.memref_slice %arg6[%dma_start3A_133, %dma_start3A_135, %dma_start3A_136] : memref<4x256x64xf32, #tpu.memory_space<vmem>> -> memref<1x256x64xf32, #tpu.memory_space<vmem>>
    %dma_start3A_138 = tpu.memref_squeeze %dma_start3A_137 : memref<1x256x64xf32, #tpu.memory_space<vmem>> -> memref<256x64xf32, #tpu.memory_space<vmem>>
    %dma_start3A_139 = arith.constant 0 : i32
    %dma_start3A_140 = arith.constant 0 : i32
    %dma_start3A_141 = tpu.memref_slice %arg4[%add3A, %dma_start3A_134, %dma_start3A_139, %dma_start3A_140] : memref<32x25x256x64xf32, #tpu.memory_space<hbm>> -> memref<1x1x256x64xf32, #tpu.memory_space<hbm>>
    %dma_start3A_142 = tpu.memref_squeeze %dma_start3A_141 : memref<1x1x256x64xf32, #tpu.memory_space<hbm>> -> memref<256x64xf32, #tpu.memory_space<hbm>>
    %dma_start3A_143 = arith.constant 0 : i32
    %dma_start3A_144 = arith.constant 0 : i32
    %dma_start3A_145 = tpu.memref_slice %arg4[%add3A, %dma_start3A_134, %dma_start3A_143, %dma_start3A_144] : memref<32x25x256x64xf32, #tpu.memory_space<hbm>> -> memref<1x1x256x64xf32, #tpu.memory_space<hbm>>
    %dma_start3A_146 = tpu.memref_squeeze %dma_start3A_145 : memref<1x1x256x64xf32, #tpu.memory_space<hbm>> -> memref<256x64xf32, #tpu.memory_space<hbm>>
    %dma_start3A_147 = arith.constant 0 : i32
    %dma_start3A_148 = arith.constant 0 : i32
    %dma_start3A_149 = tpu.memref_slice %arg6[%dma_start3A_133, %dma_start3A_147, %dma_start3A_148] : memref<4x256x64xf32, #tpu.memory_space<vmem>> -> memref<1x256x64xf32, #tpu.memory_space<vmem>>
    %dma_start3A_150 = tpu.memref_squeeze %dma_start3A_149 : memref<1x256x64xf32, #tpu.memory_space<vmem>> -> memref<256x64xf32, #tpu.memory_space<vmem>>
    tpu.enqueue_dma source(%dma_start3A_150 : memref<256x64xf32, #tpu.memory_space<vmem>>) target(%dma_start3A_146 : memref<256x64xf32, #tpu.memory_space<hbm>>) target_semaphore(%arg8 : memref<!tpu.dma_semaphore, #tpu.memory_space<semaphore_mem>>)
    %dma_wait3A_151 = arith.constant 0 : i32
    %dma_wait3A_152 = arith.constant 0 : i32
    %dma_wait3A_153 = arith.constant 0 : i32
    %dma_wait3A_154 = tpu.memref_slice %arg6[%dma_wait3A_151, %dma_wait3A_152, %dma_wait3A_153] : memref<4x256x64xf32, #tpu.memory_space<vmem>> -> memref<1x256x64xf32, #tpu.memory_space<vmem>>
    %dma_wait3A_155 = tpu.memref_squeeze %dma_wait3A_154 : memref<1x256x64xf32, #tpu.memory_space<vmem>> -> memref<256x64xf32, #tpu.memory_space<vmem>>
    %dma_wait3A_156 = arith.constant 0 : i32
    %dma_wait3A_157 = arith.constant 0 : i32
    %dma_wait3A_158 = tpu.memref_slice %arg2[%dma_wait3A_156, %dma_wait3A_157] : memref<1000000x64xf32, #tpu.memory_space<hbm>> -> memref<256x64xf32, #tpu.memory_space<hbm>>
    %dma_wait3A_159 = arith.constant 0 : i32
    %dma_wait3A_160 = arith.constant 0 : i32
    %dma_wait3A_161 = tpu.memref_slice %arg6[%dma_wait3A_151, %dma_wait3A_159, %dma_wait3A_160] : memref<4x256x64xf32, #tpu.memory_space<vmem>> -> memref<1x256x64xf32, #tpu.memory_space<vmem>>
    %dma_wait3A_162 = tpu.memref_squeeze %dma_wait3A_161 : memref<1x256x64xf32, #tpu.memory_space<vmem>> -> memref<256x64xf32, #tpu.memory_space<vmem>>
    %dma_wait3A_163 = arith.constant 0 : i32
    %dma_wait3A_164 = arith.constant 0 : i32
    %dma_wait3A_165 = tpu.memref_slice %arg2[%dma_wait3A_163, %dma_wait3A_164] : memref<1000000x64xf32, #tpu.memory_space<hbm>> -> memref<256x64xf32, #tpu.memory_space<hbm>>
    tpu.wait_dma2 semaphore(%arg7 : memref<!tpu.dma_semaphore, #tpu.memory_space<semaphore_mem>>) src(%dma_wait3A_165 : memref<256x64xf32, #tpu.memory_space<hbm>>) dst(%dma_wait3A_162 : memref<256x64xf32, #tpu.memory_space<vmem>>)
    %dma_start3A_166 = arith.constant 0 : i32
    %dma_start3A_167 = arith.constant 24 : i32
    %dma_start3A_168 = arith.constant 0 : i32
    %dma_start3A_169 = arith.constant 0 : i32
    %dma_start3A_170 = tpu.memref_slice %arg6[%dma_start3A_166, %dma_start3A_168, %dma_start3A_169] : memref<4x256x64xf32, #tpu.memory_space<vmem>> -> memref<1x256x64xf32, #tpu.memory_space<vmem>>
    %dma_start3A_171 = tpu.memref_squeeze %dma_start3A_170 : memref<1x256x64xf32, #tpu.memory_space<vmem>> -> memref<256x64xf32, #tpu.memory_space<vmem>>
    %dma_start3A_172 = arith.constant 0 : i32
    %dma_start3A_173 = arith.constant 0 : i32
    %dma_start3A_174 = tpu.memref_slice %arg4[%add3A, %dma_start3A_167, %dma_start3A_172, %dma_start3A_173] : memref<32x25x256x64xf32, #tpu.memory_space<hbm>> -> memref<1x1x256x64xf32, #tpu.memory_space<hbm>>
    %dma_start3A_175 = tpu.memref_squeeze %dma_start3A_174 : memref<1x1x256x64xf32, #tpu.memory_space<hbm>> -> memref<256x64xf32, #tpu.memory_space<hbm>>
    %dma_start3A_176 = arith.constant 0 : i32
    %dma_start3A_177 = arith.constant 0 : i32
    %dma_start3A_178 = tpu.memref_slice %arg4[%add3A, %dma_start3A_167, %dma_start3A_176, %dma_start3A_177] : memref<32x25x256x64xf32, #tpu.memory_space<hbm>> -> memref<1x1x256x64xf32, #tpu.memory_space<hbm>>
    %dma_start3A_179 = tpu.memref_squeeze %dma_start3A_178 : memref<1x1x256x64xf32, #tpu.memory_space<hbm>> -> memref<256x64xf32, #tpu.memory_space<hbm>>
    %dma_start3A_180 = arith.constant 0 : i32
    %dma_start3A_181 = arith.constant 0 : i32
    %dma_start3A_182 = tpu.memref_slice %arg6[%dma_start3A_166, %dma_start3A_180, %dma_start3A_181] : memref<4x256x64xf32, #tpu.memory_space<vmem>> -> memref<1x256x64xf32, #tpu.memory_space<vmem>>
    %dma_start3A_183 = tpu.memref_squeeze %dma_start3A_182 : memref<1x256x64xf32, #tpu.memory_space<vmem>> -> memref<256x64xf32, #tpu.memory_space<vmem>>
    tpu.enqueue_dma source(%dma_start3A_183 : memref<256x64xf32, #tpu.memory_space<vmem>>) target(%dma_start3A_179 : memref<256x64xf32, #tpu.memory_space<hbm>>) target_semaphore(%arg8 : memref<!tpu.dma_semaphore, #tpu.memory_space<semaphore_mem>>)
    %dma_wait3A_184 = arith.constant 1 : i32
    %dma_wait3A_185 = arith.constant 0 : i32
    %dma_wait3A_186 = arith.constant 0 : i32
    %dma_wait3A_187 = arith.constant 0 : i32
    %dma_wait3A_188 = tpu.memref_slice %arg6[%dma_wait3A_184, %dma_wait3A_186, %dma_wait3A_187] : memref<4x256x64xf32, #tpu.memory_space<vmem>> -> memref<1x256x64xf32, #tpu.memory_space<vmem>>
    %dma_wait3A_189 = tpu.memref_squeeze %dma_wait3A_188 : memref<1x256x64xf32, #tpu.memory_space<vmem>> -> memref<256x64xf32, #tpu.memory_space<vmem>>
    %dma_wait3A_190 = arith.constant 0 : i32
    %dma_wait3A_191 = arith.constant 0 : i32
    %dma_wait3A_192 = tpu.memref_slice %arg4[%add3A, %dma_wait3A_185, %dma_wait3A_190, %dma_wait3A_191] : memref<32x25x256x64xf32, #tpu.memory_space<hbm>> -> memref<1x1x256x64xf32, #tpu.memory_space<hbm>>
    %dma_wait3A_193 = tpu.memref_squeeze %dma_wait3A_192 : memref<1x1x256x64xf32, #tpu.memory_space<hbm>> -> memref<256x64xf32, #tpu.memory_space<hbm>>
    %dma_wait3A_194 = arith.constant 0 : i32
    %dma_wait3A_195 = arith.constant 0 : i32
    %dma_wait3A_196 = tpu.memref_slice %arg4[%add3A, %dma_wait3A_185, %dma_wait3A_194, %dma_wait3A_195] : memref<32x25x256x64xf32, #tpu.memory_space<hbm>> -> memref<1x1x256x64xf32, #tpu.memory_space<hbm>>
    %dma_wait3A_197 = tpu.memref_squeeze %dma_wait3A_196 : memref<1x1x256x64xf32, #tpu.memory_space<hbm>> -> memref<256x64xf32, #tpu.memory_space<hbm>>
    %dma_wait3A_198 = arith.constant 0 : i32
    %dma_wait3A_199 = arith.constant 0 : i32
    %dma_wait3A_200 = tpu.memref_slice %arg6[%dma_wait3A_184, %dma_wait3A_198, %dma_wait3A_199] : memref<4x256x64xf32, #tpu.memory_space<vmem>> -> memref<1x256x64xf32, #tpu.memory_space<vmem>>
    %dma_wait3A_201 = tpu.memref_squeeze %dma_wait3A_200 : memref<1x256x64xf32, #tpu.memory_space<vmem>> -> memref<256x64xf32, #tpu.memory_space<vmem>>
    tpu.wait_dma2 semaphore(%arg8 : memref<!tpu.dma_semaphore, #tpu.memory_space<semaphore_mem>>) src(%dma_wait3A_201 : memref<256x64xf32, #tpu.memory_space<vmem>>) dst(%dma_wait3A_197 : memref<256x64xf32, #tpu.memory_space<hbm>>)
    %dma_wait3A_202 = arith.constant 2 : i32
    %dma_wait3A_203 = arith.constant 0 : i32
    %dma_wait3A_204 = arith.constant 0 : i32
    %dma_wait3A_205 = arith.constant 0 : i32
    %dma_wait3A_206 = tpu.memref_slice %arg6[%dma_wait3A_202, %dma_wait3A_204, %dma_wait3A_205] : memref<4x256x64xf32, #tpu.memory_space<vmem>> -> memref<1x256x64xf32, #tpu.memory_space<vmem>>
    %dma_wait3A_207 = tpu.memref_squeeze %dma_wait3A_206 : memref<1x256x64xf32, #tpu.memory_space<vmem>> -> memref<256x64xf32, #tpu.memory_space<vmem>>
    %dma_wait3A_208 = arith.constant 0 : i32
    %dma_wait3A_209 = arith.constant 0 : i32
    %dma_wait3A_210 = tpu.memref_slice %arg4[%add3A, %dma_wait3A_203, %dma_wait3A_208, %dma_wait3A_209] : memref<32x25x256x64xf32, #tpu.memory_space<hbm>> -> memref<1x1x256x64xf32, #tpu.memory_space<hbm>>
    %dma_wait3A_211 = tpu.memref_squeeze %dma_wait3A_210 : memref<1x1x256x64xf32, #tpu.memory_space<hbm>> -> memref<256x64xf32, #tpu.memory_space<hbm>>
    %dma_wait3A_212 = arith.constant 0 : i32
    %dma_wait3A_213 = arith.constant 0 : i32
    %dma_wait3A_214 = tpu.memref_slice %arg4[%add3A, %dma_wait3A_203, %dma_wait3A_212, %dma_wait3A_213] : memref<32x25x256x64xf32, #tpu.memory_space<hbm>> -> memref<1x1x256x64xf32, #tpu.memory_space<hbm>>
    %dma_wait3A_215 = tpu.memref_squeeze %dma_wait3A_214 : memref<1x1x256x64xf32, #tpu.memory_space<hbm>> -> memref<256x64xf32, #tpu.memory_space<hbm>>
    %dma_wait3A_216 = arith.constant 0 : i32
    %dma_wait3A_217 = arith.constant 0 : i32
    %dma_wait3A_218 = tpu.memref_slice %arg6[%dma_wait3A_202, %dma_wait3A_216, %dma_wait3A_217] : memref<4x256x64xf32, #tpu.memory_space<vmem>> -> memref<1x256x64xf32, #tpu.memory_space<vmem>>
    %dma_wait3A_219 = tpu.memref_squeeze %dma_wait3A_218 : memref<1x256x64xf32, #tpu.memory_space<vmem>> -> memref<256x64xf32, #tpu.memory_space<vmem>>
    tpu.wait_dma2 semaphore(%arg8 : memref<!tpu.dma_semaphore, #tpu.memory_space<semaphore_mem>>) src(%dma_wait3A_219 : memref<256x64xf32, #tpu.memory_space<vmem>>) dst(%dma_wait3A_215 : memref<256x64xf32, #tpu.memory_space<hbm>>)
    %dma_wait3A_220 = arith.constant 3 : i32
    %dma_wait3A_221 = arith.constant 0 : i32
    %dma_wait3A_222 = arith.constant 0 : i32
    %dma_wait3A_223 = arith.constant 0 : i32
    %dma_wait3A_224 = tpu.memref_slice %arg6[%dma_wait3A_220, %dma_wait3A_222, %dma_wait3A_223] : memref<4x256x64xf32, #tpu.memory_space<vmem>> -> memref<1x256x64xf32, #tpu.memory_space<vmem>>
    %dma_wait3A_225 = tpu.memref_squeeze %dma_wait3A_224 : memref<1x256x64xf32, #tpu.memory_space<vmem>> -> memref<256x64xf32, #tpu.memory_space<vmem>>
    %dma_wait3A_226 = arith.constant 0 : i32
    %dma_wait3A_227 = arith.constant 0 : i32
    %dma_wait3A_228 = tpu.memref_slice %arg4[%add3A, %dma_wait3A_221, %dma_wait3A_226, %dma_wait3A_227] : memref<32x25x256x64xf32, #tpu.memory_space<hbm>> -> memref<1x1x256x64xf32, #tpu.memory_space<hbm>>
    %dma_wait3A_229 = tpu.memref_squeeze %dma_wait3A_228 : memref<1x1x256x64xf32, #tpu.memory_space<hbm>> -> memref<256x64xf32, #tpu.memory_space<hbm>>
    %dma_wait3A_230 = arith.constant 0 : i32
    %dma_wait3A_231 = arith.constant 0 : i32
    %dma_wait3A_232 = tpu.memref_slice %arg4[%add3A, %dma_wait3A_221, %dma_wait3A_230, %dma_wait3A_231] : memref<32x25x256x64xf32, #tpu.memory_space<hbm>> -> memref<1x1x256x64xf32, #tpu.memory_space<hbm>>
    %dma_wait3A_233 = tpu.memref_squeeze %dma_wait3A_232 : memref<1x1x256x64xf32, #tpu.memory_space<hbm>> -> memref<256x64xf32, #tpu.memory_space<hbm>>
    %dma_wait3A_234 = arith.constant 0 : i32
    %dma_wait3A_235 = arith.constant 0 : i32
    %dma_wait3A_236 = tpu.memref_slice %arg6[%dma_wait3A_220, %dma_wait3A_234, %dma_wait3A_235] : memref<4x256x64xf32, #tpu.memory_space<vmem>> -> memref<1x256x64xf32, #tpu.memory_space<vmem>>
    %dma_wait3A_237 = tpu.memref_squeeze %dma_wait3A_236 : memref<1x256x64xf32, #tpu.memory_space<vmem>> -> memref<256x64xf32, #tpu.memory_space<vmem>>
    tpu.wait_dma2 semaphore(%arg8 : memref<!tpu.dma_semaphore, #tpu.memory_space<semaphore_mem>>) src(%dma_wait3A_237 : memref<256x64xf32, #tpu.memory_space<vmem>>) dst(%dma_wait3A_233 : memref<256x64xf32, #tpu.memory_space<hbm>>)
    %dma_wait3A_238 = arith.constant 0 : i32
    %dma_wait3A_239 = arith.constant 0 : i32
    %dma_wait3A_240 = arith.constant 0 : i32
    %dma_wait3A_241 = arith.constant 0 : i32
    %dma_wait3A_242 = tpu.memref_slice %arg6[%dma_wait3A_238, %dma_wait3A_240, %dma_wait3A_241] : memref<4x256x64xf32, #tpu.memory_space<vmem>> -> memref<1x256x64xf32, #tpu.memory_space<vmem>>
    %dma_wait3A_243 = tpu.memref_squeeze %dma_wait3A_242 : memref<1x256x64xf32, #tpu.memory_space<vmem>> -> memref<256x64xf32, #tpu.memory_space<vmem>>
    %dma_wait3A_244 = arith.constant 0 : i32
    %dma_wait3A_245 = arith.constant 0 : i32
    %dma_wait3A_246 = tpu.memref_slice %arg4[%add3A, %dma_wait3A_239, %dma_wait3A_244, %dma_wait3A_245] : memref<32x25x256x64xf32, #tpu.memory_space<hbm>> -> memref<1x1x256x64xf32, #tpu.memory_space<hbm>>
    %dma_wait3A_247 = tpu.memref_squeeze %dma_wait3A_246 : memref<1x1x256x64xf32, #tpu.memory_space<hbm>> -> memref<256x64xf32, #tpu.memory_space<hbm>>
    %dma_wait3A_248 = arith.constant 0 : i32
    %dma_wait3A_249 = arith.constant 0 : i32
    %dma_wait3A_250 = tpu.memref_slice %arg4[%add3A, %dma_wait3A_239, %dma_wait3A_248, %dma_wait3A_249] : memref<32x25x256x64xf32, #tpu.memory_space<hbm>> -> memref<1x1x256x64xf32, #tpu.memory_space<hbm>>
    %dma_wait3A_251 = tpu.memref_squeeze %dma_wait3A_250 : memref<1x1x256x64xf32, #tpu.memory_space<hbm>> -> memref<256x64xf32, #tpu.memory_space<hbm>>
    %dma_wait3A_252 = arith.constant 0 : i32
    %dma_wait3A_253 = arith.constant 0 : i32
    %dma_wait3A_254 = tpu.memref_slice %arg6[%dma_wait3A_238, %dma_wait3A_252, %dma_wait3A_253] : memref<4x256x64xf32, #tpu.memory_space<vmem>> -> memref<1x256x64xf32, #tpu.memory_space<vmem>>
    %dma_wait3A_255 = tpu.memref_squeeze %dma_wait3A_254 : memref<1x256x64xf32, #tpu.memory_space<vmem>> -> memref<256x64xf32, #tpu.memory_space<vmem>>
    tpu.wait_dma2 semaphore(%arg8 : memref<!tpu.dma_semaphore, #tpu.memory_space<semaphore_mem>>) src(%dma_wait3A_255 : memref<256x64xf32, #tpu.memory_space<vmem>>) dst(%dma_wait3A_251 : memref<256x64xf32, #tpu.memory_space<hbm>>)
    return
  }
}

</mosaic_0001>

<sc_bundles>
// kernel: kernel.3.cloned.1.call-start
scs
__scs_entry_jumppad:
0x0: {  	(pc) =	sbr.rel $0x88, $3  }
0x1: {  	(tag) =	ssettag $0x0;
	lr =	simm.s32 $0x1  }
0x2: {  	[smem:$0x3F9F] =	sst lr;
	_ =	strace $0xD0000000  }
0x3: {  	_ = 	snop  }
0x4: {  	_ = 	snop  }
0x5: {  	_ = 	snop  }
0x6: {  	_ = 	snop  }
0x7: {  	_ = 	snop  }
__scs_overlays_trampoline_lowered:
0x8: {  	[smem:$0x3FAE] =	sst s0  }
0x9: {  	[smem:$0x3FAF] =	sst s1  }
0xa: {  	[smem:$0x3FB0] =	sst s2  }
0xb: {  	[smem:$0x3FB1] =	sst s3  }
0xc: {  	[smem:$0x3FB2] =	sst s4  }
0xd: {  	[smem:$0x3FB3] =	sst s5  }
0xe: {  	[smem:$0x3FB4] =	sst s6  }
0xf: {  	[smem:$0x3FB5] =	sst s7  }
0x10: {  	[smem:$0x3FB6] =	sst s8  }
0x11: {  	[smem:$0x3FB7] =	sst s9;
	s0 =	simm.s32 @!p0 $0x0  }
0x12: {  	s1 =	sld [smem:$0x3F9D];
	s0 =	simm.s32 @p0 $0x1  }
0x13: {  	[smem:$0x3FB8] =	sst s0;
	s0 =	simm.s32 @!p1 $0x0  }
0x14: {  	s2 =	sld [smem:$0x3F9C];
	s0 =	simm.s32 @p1 $0x1  }
0x15: {  	[smem:$0x3FB9] =	sst s0;
	s0 =	simm.s32 @!p2 $0x0  }
0x16: {  	s3 =	sld [smem:$0x3FDB];
	s0 =	simm.s32 @p2 $0x1  }
0x17: {  	s4 =	simm.s32 $0x1BF5;
	[smem:$0x3FBB] =	sst s0  }
0x18: {  	s0 =	sld [smem:$0x3F9E];
	_ =	swait.ge [sflag:s4], $0x0  }
0x19: {  	s7 =	sld [smem:$0x3F9F]  }
0x1a: {  	s8 =	sadd.s32 $0xFFFFE003, lr  }
0x1b: {  	s9 =	sadd.s32 $0xFFFFFEF7, lr;
	s5 =	simm.s32 $0xFFFFFFFF;
	p2 =	slt.u32 s8, $0xFFFFF086  }
0x1c: {  	p1 =	slt.u32 s9, $0xF7A;
	s5 =	simm.s32 @!p2 $0x0  }
0x1d: {  	s5 =	simm.s32 @p1 $0x1;
	p0 =	seq.s32 s7, s2  }
0x1e: {  	s7 =	smul.u32 @!p0 $0xF7A, s2;
	p2 =	seq.s32 @!p0 s5, $0x0  }
0x1f: {  	s9 =	smul.u32 $0xF7A, s1;
	s8 =	simm.s32 @!p0 $0x1BF5;
	p2 =	por !p2, p0  }
0x20: {  	[sflag:s8] =	ssyncset.s32 @!p0 $0xFFFFF086;
	s6 =	sadd.s32 @!p0 s3, s7;
	s7 =	simm.s32 @!p0 $0x108  }
0x21: {  	s3 =	sadd.s32 s3, s9;
	s6 =	sadd.s32 @!p0 $0x88, s6;
	s7 =	simm.s32 @p2 $0x1082  }
0x22: {  	[simem:s7], [sflag:s8] =	dma.local @!p0 [hbm:s6], $0xF7A  }
0x23: {  	s9 =	sor.u32 $0xD0000000, s2;
	s6 =	simm.s32 $0x108;
	_ =	swait.ge @!p0 [sflag:s8], $0x0  }
0x24: {  	s3 =	sadd.s32 $0x88, s3;
	s6 =	simm.s32 @!p1 $0x1082;
	[sflag:s4] =	ssyncset.s32 $0xFFFFF086  }
0x25: {  	[simem:s6], [sflag:s4] =	dma.local [hbm:s3], $0xF7A  }
0x26: {  	[smem:$0x3F9F] =	sst s1;
	(tag) =	ssettag s2;
	_ =	strace s9  }
0x27: {  	s1 =	sld [smem:$0x3FAF]  }
0x28: {  	s2 =	sld [smem:$0x3FB0]  }
0x29: {  	s4 =	sld [smem:$0x3FB2]  }
0x2a: {  	p0 =	seq.s32 s5, $0x0;
	s5 =	sld [smem:$0x3FB3]  }
0x2b: {  	s6 =	sld [smem:$0x3FB4]  }
0x2c: {  	s7 =	sld [smem:$0x3FB5]  }
0x2d: {  	s3 =	simm.s32 $0x108;
	s8 =	sld [smem:$0x3FB6]  }
0x2e: {  	s3 =	simm.s32 @!p0 $0x1082;
	s9 =	sld [smem:$0x3FB7]  }
0x2f: {  	lr =	sadd.s32 s0, s3;
	s0 =	sld [smem:$0x3FAE]  }
0x30: {  	s3 =	sld [smem:$0x3FB1]  }
0x31: {  	[smem:$0x3FBA] =	sst s10  }
0x32: {  	s10 =	sld [smem:$0x3FB8];
	_ =	sdelay $0x3  }
0x33: {  	p0 =	seq.s32 s10, $0x1;
	s10 =	sld [smem:$0x3FBA];
	_ =	sdelay $0x3  }
0x34: {  	[smem:$0x3FBA] =	sst s10  }
0x35: {  	s10 =	sld [smem:$0x3FB9];
	_ =	sdelay $0x3  }
0x36: {  	p1 =	seq.s32 s10, $0x1;
	s10 =	sld [smem:$0x3FBA];
	_ =	sdelay $0x3  }
0x37: {  	[smem:$0x3FBA] =	sst s10  }
0x38: {  	s10 =	sld [smem:$0x3FBB]  }
0x39: {  	_ = 	snop;
	(pc) =	sbr.ind lr, $3  }
0x3a: {  	_ = 	snop  }
0x3b: {  	_ = 	snop  }
0x3c: {  	p2 =	seq.s32 s10, $0x1;
	s10 =	sld [smem:$0x3FBA]  }
0x3d: {  	_ =	shalt  }
0x3e: {  	_ =	shalt  }
0x3f: {  	_ =	shalt  }
0x40: {  	_ =	shalt  }
0x41: {  	_ =	shalt  }
0x42: {  	_ =	shalt  }
0x43: {  	_ =	shalt  }
0x44: {  	_ =	shalt  }
0x45: {  	_ =	shalt  }
0x46: {  	_ =	shalt  }
0x47: {  	_ =	shalt  }
0x48: {  	_ =	shalt  }
0x49: {  	_ =	shalt  }
0x4a: {  	_ =	shalt  }
0x4b: {  	_ =	shalt  }
0x4c: {  	_ =	shalt  }
0x4d: {  	_ =	shalt  }
0x4e: {  	_ =	shalt  }
0x4f: {  	_ =	shalt  }
0x50: {  	_ =	shalt  }
0x51: {  	_ =	shalt  }
0x52: {  	_ =	shalt  }
0x53: {  	_ =	shalt  }
0x54: {  	_ =	shalt  }
0x55: {  	_ =	shalt  }
0x56: {  	_ =	shalt  }
0x57: {  	_ =	shalt  }
0x58: {  	_ =	shalt  }
0x59: {  	_ =	shalt  }
0x5a: {  	_ =	shalt  }
0x5b: {  	_ =	shalt  }
0x5c: {  	_ =	shalt  }
0x5d: {  	_ =	shalt  }
0x5e: {  	_ =	shalt  }
0x5f: {  	_ =	shalt  }
0x60: {  	_ =	shalt  }
0x61: {  	_ =	shalt  }
0x62: {  	_ =	shalt  }
0x63: {  	_ =	shalt  }
0x64: {  	_ =	shalt  }
0x65: {  	_ =	shalt  }
0x66: {  	_ =	shalt  }
0x67: {  	_ =	shalt  }
0x68: {  	_ =	shalt  }
0x69: {  	_ =	shalt  }
0x6a: {  	_ =	shalt  }
0x6b: {  	_ =	shalt  }
0x6c: {  	_ =	shalt  }
0x6d: {  	_ =	shalt  }
0x6e: {  	_ =	shalt  }
0x6f: {  	_ =	shalt  }
0x70: {  	_ =	shalt  }
0x71: {  	_ =	shalt  }
0x72: {  	_ =	shalt  }
0x73: {  	_ =	shalt  }
0x74: {  	_ =	shalt  }
0x75: {  	_ =	shalt  }
0x76: {  	_ =	shalt  }
0x77: {  	_ =	shalt  }
0x78: {  	_ =	shalt  }
0x79: {  	_ =	shalt  }
0x7a: {  	_ =	shalt  }
0x7b: {  	_ =	shalt  }
0x7c: {  	_ =	shalt  }
0x7d: {  	_ =	shalt  }
0x7e: {  	_ =	shalt  }
0x7f: {  	_ =	shalt  }
0x80: {  	_ =	shalt  }
0x81: {  	_ =	shalt  }
0x82: {  	_ =	shalt  }
0x83: {  	_ =	shalt  }
0x84: {  	_ =	shalt  }
0x85: {  	_ =	shalt  }
0x86: {  	_ =	shalt  }
0x87: {  	_ =	shalt  }
.Lfunc_end0:
.L_simem_size_0:
called_computation.1_lowered:
.L_overlay_start_0:
0x88: {  	s2 =	sld [smem:$0x3FD9]  }
0x89: {  	s3 =	sld [smem:$0x3FFE];
	_ =	sdelay $0x1  }
0x8a: {  	s1 =	srdreg.scid  }
0x8b: {  	s0 =	sand.u32 $0x1, s1  }
0x8c: {  	s17 =	sshll.u32 s0, $0xA;
	s2 =	sadd.s32 s3, s2  }
0x8d: {  	s2 =	sadd.s32 s2, s17  }
0x8e: {  	[smem:$0x3FC6] =	sst s2  }
0x8f: {  	_ = 	snop  }
0x90: {  	s2 =	sld [smem:$0x3FD0];
	(tm) =	ssettm $0x1  }
0x91: {  	s18 =	sld [smem:$0x3FFB];
	_ =	sdelay $0x3  }
0x92: {  	_ =	strace s18  }
0x93: {  	s3 =	sld [smem:$0x3FFC];
	_ =	sdelay $0x3  }
0x94: {  	_ =	strace s3  }
0x95: {  	s3 =	sld [smem:$0x3FFD];
	_ =	sdelay $0x3  }
0x96: {  	_ =	strace s3  }
0x97: {  	_ =	strace $0x8FFFFFFF  }
0x98: {  	s19 =	sld [smem:$0x3FDB];
	_ =	sdelay $0x1  }
0x99: {  	s4 =	simm.s32 $_scs_section_size  }
0x9a: {  	s5 =	simm.s32 $_size__tile_overlayer_lowered;
	s6 =	simm.s32 $_tile_overlayer_lowered  }
0x9b: {  	s22 =	simm.s32 $0x1BFF;
	s21 =	sshll.u32 s6, $0x1;
	s3 =	sadd.s32 s4, s19  }
0x9c: {  	s7 =	simm.s32 $0x0;
	s20 =	sshll.u32 s5, $0x1;
	s5 =	sadd.s32 s21, s3  }
0x9d: {  	[timem:s7], [sflag:s22] =	dma.local [hbm:s5], s20  }
0x9e: {  	_ =	swait.ge [sflag:s22], s20  }
0x9f: {  	s4 =	ssub.s32 $0x0, s20;
	[sflag:s22] =	ssyncset.done $0x0  }
0xa0: {  	[sflag:s22] =	ssyncadd.s32 s4;
	_ =	sdelay $0x1  }
0xa1: {  	s23 =	simm.s32 $0x1B8B  }
0xa2: {  	_ =	swait.ge [sflag:s23], $0x1  }
0xa3: {  	[sflag:s23] =	ssyncset.done $0x0  }
0xa4: {  	s25 =	simm.s32 $0x1B8E;
	s24 =	sld [smem:$0x3FFE];
	[sflag:s23] =	ssyncadd.s32 $0xFFFFFFFF  }
0xa5: {  	s26 =	simm.s32 $execute0_lowered;
	[smem:$0x3FD2] =	sst s25  }
0xa6: {  	s5 =	sshll.u32 s26, $0x1;
	_ =	strace $0x80000046;
	[dreg:$0x1] =	wrdreg $0xFFFFFFFF  }
0xa7: {  	s28 =	simm.s32 $_size_execute0_lowered;
	s3 =	sadd.s32 s3, s5;
	[dreg:$0x0] =	wrdreg $0x0  }
0xa8: {  	s5 =	sshll.u32 s28, $0x1;
	[dreg:$0x2] =	wrdreg s3  }
0xa9: {  	[dreg:$0x3] =	wrdreg s5  }
0xaa: {  	[dreg:$0x4] =	wrdreg $0xC0  }
0xab: {  	_ =	task [dreg:s7], $0x5FFFF  }
0xac: {  	[dreg:$0x1] =	wrdreg $0xFFFFFFFF  }
0xad: {  	[dreg:$0x0] =	wrdreg $0x60  }
0xae: {  	[dreg:$0x2] =	wrdreg s24  }
0xaf: {  	[dreg:$0x3] =	wrdreg s2  }
0xb0: {  	[dreg:$0x4] =	wrdreg $0x9  }
0xb1: {  	_ =	task.clear_ibuf [dreg:s7], $0x5FFFF;
	_ =	strace $0x90000046  }
0xb2: {  	s29 =	simm.s32 $0x9;
	_ =	strace $0x80000048  }
0xb3: {  	_ =	swait.ge [sflag:s29], $0x1  }
0xb4: {  	[sflag:s29] =	ssyncadd.s32 $0xFFFFFFFF  }
0xb5: {  	_ =	strace $0x90000048  }
0xb6: {  	_ =	sfence  }
0xb7: {  	s30 =	sld [smem:$0x0];
	_ =	sdelay $0x2  }
0xb8: {  	s31 =	sshll.u32 s1, $0xD;
	s1 =	sshrl.u32 s1, $0x2  }
0xb9: {  	s3 =	sand.u32 $0x4000, s31;
	s1 =	sadd.s32 s1, s30  }
0xba: {  	s0 =	sor.u32 s3, s0;
	s1 =	sshll.u32 s1, $0x11  }
0xbb: {  	s0 =	sor.u32 s1, s0  }
0xbc: {  	s0 =	sadd.s32 $0x8F2B, s0  }
0xbd: {  	[sflag:s0] =	ssyncadd.remote.s32 $0x1  }
0xbe: {  	_ =	sfence.sel $0xFFFF  }
0xbf: {  	[dreg:$0x0] =	wrdreg $0xFFFFFFFF;
	(pc) =	sbr.abs _section_cstart, $3  }
0xc0: {  	[dreg:$0x1] =	wrdreg $0xFFFFFFFF  }
0xc1: {  	_ =	task.clear_ibuf [dreg:s7], $0x2FFFF;
	_ =	strace $0x9FFFFFFF  }
0xc2: {  	(tm) =	ssettm $0x7FFFFFFF  }
0xc3: {  	_ =	shalt  }
tec
execute0_lowered:
.L_overlay_start_1:
0x0: {  	(tag) =	ssettag $0x1  }
0x1: {  	s1 =	srdreg.scid  }
0x2: {  	s0 =	stileid.u32;
	s4 =	rddreg [dreg:$0x0]  }
0x3: {  	s10 =	rddreg [dreg:$0x1];
	s2 =	simm.s32 $0x0;
	s13 =	simm.s32 $0x1900  }
0x4: {  	s14 =	simm.s32 $0x5900;
	s15 =	simm.s32 $0x200;
	s16 =	simm.s32 $0x9900  }
0x5: {  	s17 =	simm.s32 $0x300;
	s18 =	simm.s32 $0xD900;
	s19 =	simm.s32 $0x1  }
0x6: {  	s20 =	simm.s32 $0x2;
	s21 =	simm.s32 $0x0;
	s5 =	sand.u32 $0x1, s1  }
0x7: {  	s29 =	sshll.u32 s0, $0x1;
	s1 =	rddreg [dreg:$0x2];
	s8 =	smul.u32 $0xC8000, s0  }
0x8: {  	[smem:$0x7FF] =	sst s2;
	s3 =	sor.u32 s5, s29;
	s12 =	smul.u32 $0x64000, s5  }
0x9: {  	_ =	strace $0x80000047;
	s30 =	ssub.s32 $0x2, s5;
	s6 =	smul.u32 $0x320, s3  }
0xa: {  	s7 =	smul.u32 $0x64000, s3;
	s3 =	sadd.s32 $0xF42E00, s4;
	s9 =	sshrl.u32 s30, $0x1  }
0xb: {  	s9 =	ssub.s32 s30, s9;
	s12 =	sadd.s32 s12, s8;
	s4 =	sadd.s32 s6, s4  }
0xc: {  	s7 =	sshrl.u32 s7, $0x3;
	s9 =	smax.u32 s9, $0x1;
	s31 =	sshrl.u32 s12, $0x3  }
0xd: {  	s12 =	simm.s32 $0x100;
	s11 =	sadd.s32 s10, s7;
	s4 =	sadd.s32 $0xA00, s4  }
0xe: {  	s10 =	sadd.s32 s31, s10;
	s5 =	sadd.s32 $0xA800, s11;
	s6 =	sadd.s32 $0xB000, s11  }
0xf: {  	s7 =	sadd.s32 $0xB800, s11;
	s8 =	sadd.s32 $0xC000, s11;
	s11 =	simm.s32 $0x3  }
.LBB2_1:
0x10: {  	[tilespmem:s2], [sflag:$0x3] =	stream.linear.gather [hbm4b:s4+s2], $0x1900, $0x38;
	[tilespmem:$0x11900] =	vst v63  }
0x11: {  	_ =	swait.ge [sflag:s11], $0x1900  }
0x12: {  	[sflag:s11] =	ssyncset.done $0x0  }
0x13: {  	[sflag:s11] =	ssyncadd.s32 $0xFFFFE700  }
0x14: {  	[tilespmem:s13], [sflag:$0x1] =	stream.indirect.gather [hbm4b:s3+s12], $0x40, s2, s12, $0xb8;
	[tilespmem:$0x11900] =	vst v63  }
0x15: {  	_ = 	snop  }
0x16: {  	[tilespmem:s14], [sflag:$0x1] =	stream.indirect.gather [hbm4b:s3+s12], $0x40, s12, s12, $0xb8;
	[tilespmem:$0x11900] =	vst v63  }
0x17: {  	_ = 	snop  }
0x18: {  	[tilespmem:s16], [sflag:$0x1] =	stream.indirect.gather [hbm4b:s3+s12], $0x40, s15, s12, $0xb8;
	[tilespmem:$0x11900] =	vst v63  }
0x19: {  	_ = 	snop  }
0x1a: {  	[tilespmem:s18], [sflag:$0x1] =	stream.indirect.gather [hbm4b:s3+s12], $0x40, s17, s12, $0xb8;
	[tilespmem:$0x11900] =	vst v63  }
0x1b: {  	_ =	swait.ge [sflag:s19], $0x4000  }
0x1c: {  	s22 =	sand.u32 $0xC000, s2;
	[sflag:s19] =	ssyncset.done $0x0  }
0x1d: {  	s26 =	sor.u32 $0x1900, s22;
	[sflag:s19] =	ssyncadd.s32 $0xFFFFC000  }
0x1e: {  	[hbm4b:s10+s2] =	stream.linear.scatter [tilespmem:s26], [sflag:$0x2], $0x4000, $0x38;
	[tilespmem:$0x11900] =	vst v63  }
0x1f: {  	_ =	swait.ge [sflag:s20], $0x4000  }
0x20: {  	s23 =	simm.s32 $0x4000;
	s24 =	simm.s32 $0x500;
	[sflag:s20] =	ssyncset.done $0x0  }
0x21: {  	s25 =	sadd.s32 $0x800, s10;
	s22 =	simm.s32 $0x400;
	[sflag:s20] =	ssyncadd.s32 $0xFFFFC000  }
.LBB2_2:
0x22: {  	[tilespmem:s26], [sflag:$0x1] =	stream.indirect.gather [hbm4b:s3+s12], $0x40, s22, s12, $0xb8;
	[tilespmem:$0x11900] =	vst v63  }
0x23: {  	s26 =	smov.u32 s23;
	s22 =	smov.u32 s24  }
0x24: {  	p0 =	sne.s32 s23, $0x50000;
	s23 =	sadd.s32 $0x4000, s23;
	_ =	swait.ge [sflag:s19], $0x4000  }
0x25: {  	s26 =	sand.u32 $0xC000, s26;
	[sflag:s19] =	ssyncset.done $0x0  }
.Ltmp0:
0x26: {  	s26 =	sor.u32 $0x1900, s26;
	[sflag:s19] =	ssyncadd.s32 $0xFFFFC000;
	(pc) =	sbr.rel @p0 .LBB2_2-.Ltmp0, $4  }
0x27: {  	[hbm4b:s25+s2] =	stream.linear.scatter [tilespmem:s26], [sflag:$0x2], $0x4000, $0x38;
	[tilespmem:$0x11900] =	vst v63  }
0x28: {  	_ =	swait.ge [sflag:s20], $0x4000  }
0x29: {  	[sflag:s20] =	ssyncset.done $0x0  }
0x2a: {  	s24 =	sadd.s32 $0x100, s24;
	s25 =	sadd.s32 $0x800, s25;
	[sflag:s20] =	ssyncadd.s32 $0xFFFFC000  }
0x2b: {  	[tilespmem:s26], [sflag:$0x1] =	stream.indirect.gather [hbm4b:s3+s12], $0x40, s22, s12, $0xb8;
	[tilespmem:$0x11900] =	vst v63  }
0x2c: {  	_ =	swait.ge [sflag:s19], $0x4000  }
0x2d: {  	[sflag:s19] =	ssyncset.done $0x0  }
0x2e: {  	[sflag:s19] =	ssyncadd.s32 $0xFFFFC000  }
0x2f: {  	[hbm4b:s5+s2] =	stream.linear.scatter [tilespmem:s14], [sflag:$0x2], $0x4000, $0x38;
	[tilespmem:$0x11900] =	vst v63  }
0x30: {  	_ =	swait.ge [sflag:s19], $0x4000  }
0x31: {  	[sflag:s19] =	ssyncset.done $0x0  }
0x32: {  	[sflag:s19] =	ssyncadd.s32 $0xFFFFC000  }
0x33: {  	[hbm4b:s6+s2] =	stream.linear.scatter [tilespmem:s16], [sflag:$0x2], $0x4000, $0x38;
	[tilespmem:$0x11900] =	vst v63  }
0x34: {  	_ =	swait.ge [sflag:s19], $0x4000  }
0x35: {  	[sflag:s19] =	ssyncset.done $0x0  }
0x36: {  	[sflag:s19] =	ssyncadd.s32 $0xFFFFC000  }
0x37: {  	[hbm4b:s7+s2] =	stream.linear.scatter [tilespmem:s18], [sflag:$0x2], $0x4000, $0x38;
	[tilespmem:$0x11900] =	vst v63  }
0x38: {  	_ =	swait.ge [sflag:s19], $0x4000  }
0x39: {  	[sflag:s19] =	ssyncset.done $0x0  }
0x3a: {  	[sflag:s19] =	ssyncadd.s32 $0xFFFFC000  }
0x3b: {  	[hbm4b:s8+s2] =	stream.linear.scatter [tilespmem:s13], [sflag:$0x2], $0x4000, $0x38;
	[tilespmem:$0x11900] =	vst v63  }
0x3c: {  	_ =	swait.ge [sflag:s20], $0x4000  }
0x3d: {  	[sflag:s20] =	ssyncset.done $0x0  }
0x3e: {  	[sflag:s20] =	ssyncadd.s32 $0xFFFFC000  }
0x3f: {  	_ =	swait.ge [sflag:s20], $0x4000  }
0x40: {  	[sflag:s20] =	ssyncset.done $0x0  }
0x41: {  	s21 =	sadd.s32 $0x1, s21;
	[sflag:s20] =	ssyncadd.s32 $0xFFFFC000  }
0x42: {  	p0 =	sne.s32 s21, s9;
	_ =	swait.ge [sflag:s20], $0x4000  }
.Ltmp1:
0x43: {  	[sflag:s20] =	ssyncset.done $0x0;
	(pc) =	sbr.rel @p0 .LBB2_1-.Ltmp1, $4  }
0x44: {  	[sflag:s20] =	ssyncadd.s32 $0xFFFFC000  }
0x45: {  	_ =	swait.ge [sflag:s20], $0x4000  }
0x46: {  	[sflag:s20] =	ssyncset.done $0x0  }
0x47: {  	[sflag:s20] =	ssyncadd.s32 $0xFFFFC000  }
0x48: {  	_ =	sfence.sel $0x180000  }
0x49: {  	[bflag:$0x0] =	sbarrier.arrive $0xFFFF  }
0x4a: {  	p0 =	sne.s32 s0, $0x0;
	_ =	strace $0x90000047  }
0x4b: {  	s0 =	sadd.s32 @!p0 $0x100000, s1;
	[bflag:$0x2] =	sbarrier.arrive $0xFFFF  }
0x4c: {  	[sflag:s0] =	ssyncadd.tile.s32 @!p0 $0x1;
	_ =	shalt  }
.Lfunc_end2:
_tile_overlayer_lowered:
.L_overlay_start_2:
0x4d: {  	(tag) =	ssettag $0x2  }
0x4e: {  	s0 =	rddreg [dreg:$0x0];
	s2 =	stileid.u32  }
0x4f: {  	s1 =	rddreg [dreg:$0x1];
	p0 =	sne.s32 s2, $0x0  }
0x50: {  	s3 =	rddreg [dreg:$0x2];
	[bflag:$0x3] =	sbarrier.arrive $0xFFFF;
	s2 =	simm.s32 @!p0 $0x1C03  }
0x51: {  	[timem:s3], [sflag:s2] =	dma.local @!p0 [hbm:s0], s1  }
0x52: {  	s0 =	simm.s32 @!p0 $0x3  }
0x53: {  	_ =	swait.ge @!p0 [sflag:s0], s1  }
0x54: {  	s1 =	ssub.s32 @!p0 $0x0, s1;
	[sflag:s0] =	ssyncset.done @!p0 $0x0  }
0x55: {  	[sflag:s0] =	ssyncadd.s32 @!p0 s1  }
0x56: {  	[bflag:$0x3] =	sbarrier.arrive $0xFFFF  }
0x57: {  	_ =	shalt  }

// kernel: sparse-core-data-format-call.cloned.1.call-start
scs
called_computation_lowered:
.L_overlay_start_0:
0x0: {  	s2 =	sld [smem:$0x3FD9]  }
0x1: {  	s3 =	sld [smem:$0x3FFE];
	_ =	sdelay $0x1  }
0x2: {  	s1 =	srdreg.scid  }
0x3: {  	s0 =	sand.u32 $0x1, s1  }
0x4: {  	s18 =	sshll.u32 s0, $0xA;
	s2 =	sadd.s32 s3, s2  }
0x5: {  	s2 =	sadd.s32 s2, s18  }
0x6: {  	[smem:$0x3FC6] =	sst s2  }
0x7: {  	_ = 	snop  }
0x8: {  	s2 =	sld [smem:$0x3FD0];
	(tm) =	ssettm $0x1  }
0x9: {  	s19 =	sld [smem:$0x3FFB];
	_ =	sdelay $0x3  }
0xa: {  	_ =	strace s19  }
0xb: {  	s3 =	sld [smem:$0x3FFC];
	_ =	sdelay $0x3  }
0xc: {  	_ =	strace s3  }
0xd: {  	s3 =	sld [smem:$0x3FFD];
	_ =	sdelay $0x3  }
0xe: {  	_ =	strace s3  }
0xf: {  	_ =	strace $0x8FFFFFFF  }
0x10: {  	s20 =	sld [smem:$0x3FDB];
	_ =	sdelay $0x1  }
0x11: {  	s4 =	simm.s32 $_scs_section_size  }
0x12: {  	s5 =	simm.s32 $_size__tile_overlayer_lowered;
	s6 =	simm.s32 $_tile_overlayer_lowered  }
0x13: {  	s23 =	simm.s32 $0x1BFF;
	s22 =	sshll.u32 s6, $0x1;
	s3 =	sadd.s32 s4, s20  }
0x14: {  	s7 =	simm.s32 $0x0;
	s21 =	sshll.u32 s5, $0x1;
	s5 =	sadd.s32 s22, s3  }
0x15: {  	[timem:s7], [sflag:s23] =	dma.local [hbm:s5], s21  }
0x16: {  	_ =	swait.ge [sflag:s23], s21  }
0x17: {  	s4 =	ssub.s32 $0x0, s21;
	[sflag:s23] =	ssyncset.done $0x0  }
0x18: {  	[sflag:s23] =	ssyncadd.s32 s4;
	_ =	sdelay $0x1  }
0x19: {  	s24 =	simm.s32 $0x1B8B  }
0x1a: {  	_ =	swait.ge [sflag:s24], $0x1  }
0x1b: {  	[sflag:s24] =	ssyncset.done $0x0  }
0x1c: {  	s26 =	simm.s32 $0x1B8E;
	s25 =	sld [smem:$0x3FFE];
	[sflag:s24] =	ssyncadd.s32 $0xFFFFFFFF  }
0x1d: {  	s27 =	simm.s32 $execute0_lowered;
	[smem:$0x3FD2] =	sst s26  }
0x1e: {  	s5 =	sshll.u32 s27, $0x1;
	_ =	strace $0x80000049;
	[dreg:$0x1] =	wrdreg $0xFFFFFFFF  }
0x1f: {  	s28 =	simm.s32 $_size_execute0_lowered;
	s3 =	sadd.s32 s3, s5;
	[dreg:$0x0] =	wrdreg $0x0  }
0x20: {  	s5 =	sshll.u32 s28, $0x1;
	[dreg:$0x2] =	wrdreg s3  }
0x21: {  	[dreg:$0x3] =	wrdreg s5  }
0x22: {  	[dreg:$0x4] =	wrdreg $0xC0  }
0x23: {  	_ =	task [dreg:s7], $0x5FFFF  }
0x24: {  	[dreg:$0x1] =	wrdreg $0xFFFFFFFF  }
0x25: {  	[dreg:$0x0] =	wrdreg $0x60  }
0x26: {  	[dreg:$0x2] =	wrdreg s25  }
0x27: {  	[dreg:$0x3] =	wrdreg s2  }
0x28: {  	[dreg:$0x4] =	wrdreg $0x9  }
0x29: {  	_ =	task.clear_ibuf [dreg:s7], $0x5FFFF;
	_ =	strace $0x90000049  }
0x2a: {  	s29 =	simm.s32 $0x9;
	_ =	strace $0x8000004B  }
0x2b: {  	_ =	swait.ge [sflag:s29], $0x1  }
0x2c: {  	[sflag:s29] =	ssyncadd.s32 $0xFFFFFFFF  }
0x2d: {  	_ =	strace $0x9000004B  }
0x2e: {  	_ =	sfence  }
0x2f: {  	s30 =	sld [smem:$0x0];
	_ =	sdelay $0x2  }
0x30: {  	s31 =	sshll.u32 s1, $0xD;
	s1 =	sshrl.u32 s1, $0x2  }
0x31: {  	s3 =	sand.u32 $0x4000, s31;
	s1 =	sadd.s32 s1, s30  }
0x32: {  	s0 =	sor.u32 s3, s0;
	s1 =	sshll.u32 s1, $0x11  }
0x33: {  	s0 =	sor.u32 s1, s0  }
0x34: {  	s0 =	sadd.s32 $0x8F2B, s0  }
0x35: {  	[sflag:s0] =	ssyncadd.remote.s32 $0x1  }
0x36: {  	_ =	sfence.sel $0xFFFF  }
0x37: {  	[dreg:$0x0] =	wrdreg $0xFFFFFFFF;
	(pc) =	sbr.abs _section_cstart, $3  }
0x38: {  	[dreg:$0x1] =	wrdreg $0xFFFFFFFF  }
0x39: {  	_ =	task.clear_ibuf [dreg:s7], $0x2FFFF;
	_ =	strace $0x9FFFFFFF  }
0x3a: {  	(tm) =	ssettm $0x7FFFFFFF  }
0x3b: {  	_ =	shalt  }
tec
execute0_lowered:
.L_overlay_start_1:
0x0: {  	(tag) =	ssettag $0x1  }
0x1: {  	s0 =	stileid.u32;
	s6 =	rddreg [dreg:$0x0]  }
0x2: {  	s2 =	rddreg [dreg:$0x1];
	s5 =	srdreg.scid  }
0x3: {  	s31 =	simm.s32 $0x2;
	s13 =	simm.s32 $0x0;
	s1 =	sshll.u32 s0, $0x7  }
0x4: {  	s14 =	simm.s32 $0x0;
	s12 =	simm.s32 $0x0;
	s3 =	sand.u32 $0x380, s1  }
0x5: {  	s5 =	sshll.u32 s5, $0x4;
	s6 =	sadd.s32 $0xA00, s6;
	s4 =	ssub.s32 $0x400, s3  }
0x6: {  	s1 =	rddreg [dreg:$0x2];
	_ =	strace $0x8000004A;
	s7 =	sand.u32 $0x380, s4  }
0x7: {  	s5 =	sand.u32 $0x10, s5;
	p0 =	sne.s32 s7, $0x0;
	s7 =	simm.s32 $0x1  }
.Ltmp0:
0x8: {  	s8 =	sshrl.u32 s4, $0xA;
	s7 =	simm.s32 @!p0 $0x0;
	(pc) =	sbr.rel .LBB1_1-.Ltmp0, $4  }
0x9: {  	s9 =	sor.u32 s0, s5;
	s4 =	simm.s32 $0x1;
	s30 =	sadd.s32 s7, s8  }
0xa: {  	s11 =	smov.u32 s3;
	[sflag:s4] =	ssyncpa.u1 $0x0;
	s5 =	smul.u32 $0x32, s30  }
0xb: {  	[sflag:s31] =	ssyncpa.u1 $0x0;
	p0 =	por $0x0, $0x0;
	s7 =	sshrl.u32 s9, $0x3  }
0xc: {  	s9 =	simm.s32 $0x2000;
	s10 =	smov.u32 s7;
	s8 =	sor.u32 $0x1, s5  }
.LBB1_4:
0xd: {  	s17 =	sand.u32 $0x1F80, s14;
	s13 =	sshll.u32 s13, $0xD  }
0xe: {  	[tilespmem:s16+$0x810 ss:$0x81] =	vst.msk $0xffff, v2;
	s18 =	sshrl.u32 s14, $0x3;
	s31 =	sand.u32 $0x7, s14;
	s17 =	sadd.s32 s2, s17  }
0xf: {  	[tilespmem:s16+$0x1020 ss:$0x81] =	vst.msk $0xffff, v0;
	s18 =	sand.u32 $0xF, s18;
	s14 =	sshll.u32 s31, $0x12;
	s13 =	sadd.s32 s13, s17  }
0x10: {  	[tilespmem:s16+$0x0 ss:$0x81] =	vst.msk $0xffff, v1;
	s14 =	sor.u32 $0x400, s14;
	s13 =	sadd.s32 s18, s13  }
0x11: {  	[hbm4b:s13+s14] =	stream.strided.scatter [tilespmem:s15], [sflag:$0x2], $0x2000, s9, s14, $0x20;
	[tilespmem:$0x8080] =	vst v63  }
.LBB1_5:
0x12: {  	s15 =	sadd.s32 $0x4, s10  }
0x13: {  	s13 =	sadd.s32 $0x400, s11;
	s17 =	smov.u32 s11;
	p2 =	sgt.s32 s15, $0xC7  }
0x14: {  	s17 =	smov.u32 @p2 s13  }
0x15: {  	s15 =	smov.u32 @p2 s7;
	p2 =	sgt.s32 s17, $0x3FF  }
0x16: {  	s17 =	smov.u32 @p2 s3;
	p2 =	sne.s32 s12, s8  }
.Ltmp1:
0x17: {  	p1 =	slt.u32 s12, $0x2;
	(pc) =	sbr.rel @!p2 .LBB1_6-.Ltmp1, $4  }
0x18: {  	s16 =	simm.s32 @!p1 $0x2  }
0x19: {  	s14 =	smov.u32 s11;
	p0 =	por !p0, !p0;
	_ =	swait.ge @!p1 [sflag:s16], $0x2000  }
0x1a: {  	s13 =	smov.u32 s10;
	[sflag:s16] =	ssyncset.done @!p1 $0x0;
	s10 =	smov.u32 s15  }
0x1b: {  	s12 =	sadd.s32 $0x1, s12;
	[sflag:s16] =	ssyncadd.s32 @!p1 $0xFFFFE000;
	s11 =	smov.u32 s17  }
.LBB1_1:
0x1c: {  	p1 =	sge.u32 s12, s5  }
0x1d: {  	s15 =	sand.u32 @!p1 $0x1FFFFFF, s10  }
0x1e: {  	s16 =	smulhi.u32 @!p1 $0x147AE15, s15;
	_ =	sdelay $0x1  }
0x1f: {  	s16 =	smul.u32 @!p1 $0xC8, s16  }
0x20: {  	s17 =	sxor.u32 @!p1 $0xFFFFFFFF, s12;
	s18 =	smul.u32 @!p1 $0xC80, s11  }
0x21: {  	s31 =	sadd.s32 $0xFFFFFFFF, s12;
	s17 =	sshll.u32 @!p1 s17, $0xD;
	s15 =	ssub.s32 @!p1 s15, s16  }
0x22: {  	s16 =	sand.u32 @!p1 $0x2000, s17;
	s17 =	sadd.s32 @!p1 s6, s18;
	s15 =	sshll.u32 @!p1 s15, $0x4  }
0x23: {  	s18 =	simm.s32 @!p1 $0x6400;
	s15 =	sadd.s32 @!p1 s15, s17;
	s17 =	simm.s32 @!p1 $0x40  }
0x24: {  	[tilespmem:s16], [sflag:$0x1] =	stream.strided.gather @!p1 [hbm4b:s15+s17], $0x2000, s18, s17, $0x38;
	[tilespmem:$0x8080] =	vst v63  }
0x25: {  	p1 =	sge.u32 s31, s5  }
.Ltmp2:
0x26: {  	_ = 	snop;
	(pc) =	sbr.rel @p1 .LBB1_5-.Ltmp2, $1  }
0x27: {  	_ =	sdelay $0x3  }
0x28: {  	s15 =	simm.s32 $0x1  }
0x29: {  	_ =	swait.ge [sflag:s4], $0x2000;
	s15 =	simm.s32 @!p0 $0x0  }
0x2a: {  	[sflag:s4] =	ssyncset.done $0x0;
	s16 =	sshll.u32 s15, $0xD  }
0x2b: {  	[sflag:s4] =	ssyncadd.s32 $0xFFFFE000;
	s19 =	sor.u32 $0x20, s16  }
0x2c: {  	s15 =	smul.u32 $0x8100, s15;
	v3 =	vld [tilespmem:s19+$0x10]  }
0x2d: {  	s30 =	sand.u32 $0x1, s12;
	v2 =	vld [tilespmem:s19+$0xFFFFFFF0]  }
0x2e: {  	s16 =	smul.u32 $0x8100, s30;
	s15 =	sshrl.u32 s15, $0x2;
	v0 =	vld [tilespmem:s19+$0x0]  }
0x2f: {  	v1 =	vld [tilespmem:s19+$0xFFFFFFE0];
	s17 =	sor.u32 $0x4000, s15  }
0x30: {  	s31 =	sshrl.u32 s16, $0x2;
	s16 =	sadd.s32 $0x0, s17  }
0x31: {  	s18 =	simm.s32 $0x4;
	s19 =	sadd.s32 $0x40, s19;
	s15 =	sor.u32 $0x4000, s31;
	[tilespmem:s16+$0x1830 ss:$0x81] =	vst.msk $0xffff, v3  }
.LBB1_3:
0x32: {  	v3 =	vld [tilespmem:s19+$0x10];
	p1 =	sne.s32 s18, $0x1FC;
	[tilespmem:s16+$0x810 ss:$0x81] =	vst.msk $0xffff, v2;
	s20 =	smov.u32 s18;
	s18 =	sadd.s32 $0x4, s18  }
.Ltmp3:
0x33: {  	v2 =	vld [tilespmem:s19+$0xFFFFFFF0];
	[tilespmem:s16+$0x1020 ss:$0x81] =	vst.msk $0xffff, v0;
	(pc) =	sbr.rel @p1 .LBB1_3-.Ltmp3, $4  }
0x34: {  	v0 =	vld [tilespmem:s19+$0x0];
	[tilespmem:s16+$0x0 ss:$0x81] =	vst.msk $0xffff, v1  }
0x35: {  	s16 =	sshra.s32 s20, $0x2;
	v1 =	vld [tilespmem:s19+$0xFFFFFFE0]  }
0x36: {  	s16 =	sadd.s32 s16, s17  }
0x37: {  	s19 =	sadd.s32 $0x40, s19;
	[tilespmem:s16+$0x1830 ss:$0x81] =	vst.msk $0xffff, v3  }
.Ltmp4:
0x38: {  	_ = 	snop;
	(pc) =	sbr.rel .LBB1_4-.Ltmp4, $1  }
0x39: {  	_ =	sdelay $0x3  }
.LBB1_6:
0x3a: {  	_ =	sfence.sel $0x180000  }
0x3b: {  	s2 =	simm.s32 $0x1;
	[bflag:$0x0] =	sbarrier.arrive $0xFFFF  }
0x3c: {  	s31 =	simm.s32 $0x2;
	[sflag:s2] =	ssyncpa.u1 $0x1  }
0x3d: {  	[sflag:s31] =	ssyncpa.u1 $0x1  }
0x3e: {  	p0 =	sne.s32 s0, $0x0;
	_ =	strace $0x9000004A  }
0x3f: {  	s0 =	sadd.s32 @!p0 $0x100000, s1;
	[bflag:$0x2] =	sbarrier.arrive $0xFFFF  }
0x40: {  	[sflag:s0] =	ssyncadd.tile.s32 @!p0 $0x1;
	_ =	shalt  }
.Lfunc_end1:
_tile_overlayer_lowered:
.L_overlay_start_2:
0x41: {  	(tag) =	ssettag $0x2  }
0x42: {  	s0 =	rddreg [dreg:$0x0];
	s2 =	stileid.u32  }
0x43: {  	s1 =	rddreg [dreg:$0x1];
	p0 =	sne.s32 s2, $0x0  }
0x44: {  	s3 =	rddreg [dreg:$0x2];
	[bflag:$0x3] =	sbarrier.arrive $0xFFFF;
	s2 =	simm.s32 @!p0 $0x1C01  }
0x45: {  	[timem:s3], [sflag:s2] =	dma.local @!p0 [hbm:s0], s1  }
0x46: {  	s0 =	simm.s32 @!p0 $0x1  }
0x47: {  	_ =	swait.ge @!p0 [sflag:s0], s1  }
0x48: {  	s1 =	ssub.s32 @!p0 $0x0, s1;
	[sflag:s0] =	ssyncset.done @!p0 $0x0  }
0x49: {  	[sflag:s0] =	ssyncadd.s32 @!p0 s1  }
0x4a: {  	[bflag:$0x3] =	sbarrier.arrive $0xFFFF  }
0x4b: {  	_ =	shalt  }

</sc_bundles>
